<compile_context>
chip_gen: v7x
topology: tpu7x:2x2x1
jax: 0.10.2.dev20260603
libtpu: 0.0.44.dev20260713+nightly
codegen_flags: <defaults>
</compile_context>

<pallas_src>
import functools

import jax
import jax.numpy as jnp
from jax import lax
from jax.experimental import pallas as pl
from jax.experimental.pallas import tpu as pltpu
from jax.experimental.pallas import tpu_sc as plsc

_BINS = 64
_NBINS = _BINS * _BINS
_N = 8 * 3 * 512 * 512
_NC = 2
_NS = 16
_NW = _NC * _NS
_L = 16
_COLS = 512
_ROWS = _N // _COLS
_RPW = _ROWS // _NW
_RCHUNK = 24
_NCHUNK = _RPW // _RCHUNK

_mesh = plsc.VectorSubcoreMesh(core_axis_name="c", subcore_axis_name="s")


@functools.partial(
    pl.kernel,
    out_type=(
        jax.ShapeDtypeStruct((_NW * _NBINS * _L,), jnp.float32),
        jax.ShapeDtypeStruct((_NW * _L,), jnp.float32),
    ),
    mesh=_mesh,
    compiler_params=pltpu.CompilerParams(
        needs_layout_passes=False, use_tc_tiling_on_sc=True),
    scratch_types=[
        pltpu.VMEM((_RCHUNK, _COLS), jnp.float32),
        pltpu.VMEM((_RCHUNK, _COLS), jnp.float32),
        pltpu.VMEM((_RCHUNK, _COLS), jnp.float32),
        pltpu.VMEM((_RCHUNK, _COLS), jnp.float32),
        pltpu.VMEM(((_NBINS + 8) * _L,), jnp.float32),
        pltpu.SemaphoreType.DMA,
        pltpu.SemaphoreType.DMA,
        pltpu.SemaphoreType.DMA,
        pltpu.SemaphoreType.DMA,
    ],
)
def _sc_hist(x_hbm, y_hbm, out_hbm, ovf_hbm, xbuf0, xbuf1, ybuf0, ybuf1, hist,
             sem_x0, sem_x1, sem_y0, sem_y1):
    wid = lax.axis_index("s") * _NC + lax.axis_index("c")
    base = wid * _RPW
    bufs = [(xbuf0, ybuf0), (xbuf1, ybuf1)]
    sems = [(sem_x0, sem_y0), (sem_x1, sem_y1)]

    zeros = jnp.zeros((_L,), jnp.float32)

    def zero16(i):
        hist[pl.ds(i * _L, _L)] = zeros

    plsc.parallel_loop(0, _NBINS + 8, 1, unroll=8)(zero16)

    lane = jnp.arange(_L, dtype=jnp.int32)
    ones = jnp.ones((_L,), jnp.float32)

    def start(c, b):
        row0 = pl.multiple_of(base + c * _RCHUNK, _RCHUNK)
        sx, sy = sems[b]
        xb, yb = bufs[b]
        pltpu.async_copy(x_hbm.at[pl.ds(row0, _RCHUNK)], xb, sx)
        pltpu.async_copy(y_hbm.at[pl.ds(row0, _RCHUNK)], yb, sy)

    def wait_dma(b):
        sx, sy = sems[b]
        xb, yb = bufs[b]
        pltpu.make_async_copy(x_hbm.at[pl.ds(0, _RCHUNK)], xb, sx).wait()
        pltpu.make_async_copy(y_hbm.at[pl.ds(0, _RCHUNK)], yb, sy).wait()

    start(0, 0)
    start(1, 1)

    @pl.loop(0, _NCHUNK, step=2)
    def chunk_loop(c):
        for b in range(2):
            wait_dma(b)
            xcur, ycur = bufs[b]

            def body(j, xcur=xcur, ycur=ycur):
                r = lax.shift_right_logical(j, 5)
                cc = lax.shift_left(j & 31, 4)
                xv = xcur[r, pl.ds(cc, _L)]
                yv = ycur[r, pl.ds(cc, _L)]
                v = xv + yv
                it = (v * float(_NBINS)).astype(jnp.int32)
                idx = lax.shift_left(it, 4) + lane
                plsc.addupdate_scatter(hist, [idx], ones, mask=v <= 1.0)

            plsc.parallel_loop(0, _RCHUNK * _COLS // _L, 1, unroll=4)(body)

            nxt = c + 2 + b

            @pl.when(nxt < _NCHUNK)
            def _prefetch(nxt=nxt, b=b):
                start(nxt, b)

    pltpu.sync_copy(hist.at[pl.ds(0, _NBINS * _L)],
                    out_hbm.at[pl.ds(wid * _NBINS * _L, _NBINS * _L)])
    pltpu.sync_copy(hist.at[pl.ds(_NBINS * _L, _L)],
                    ovf_hbm.at[pl.ds(wid * _L, _L)])


def _nmi_tc(parts_ref, ovf_ref, out_ref):
    parts = parts_ref[...]
    s = jnp.sum(parts, axis=0)
    kk = lax.broadcasted_iota(jnp.int32, (1024, _BINS), 0)
    jj = lax.broadcasted_iota(jnp.int32, (1024, _BINS), 1)
    fold = jnp.where(lax.shift_right_logical(kk, 4) == jj, 1.0, 0.0)
    hist = jnp.dot(s, fold, preferred_element_type=jnp.float32)
    ovf = jnp.sum(ovf_ref[...])
    rr = lax.broadcasted_iota(jnp.int32, (_BINS, _BINS), 0)
    cc = lax.broadcasted_iota(jnp.int32, (_BINS, _BINS), 1)
    last = (rr == _BINS - 1) & (cc == _BINS - 1)
    hist = hist + jnp.where(last, ovf, 0.0)
    total = jnp.sum(hist)
    pxy = hist / total
    px = jnp.sum(pxy, axis=1, keepdims=True)
    py = jnp.sum(pxy, axis=0, keepdims=True)
    pxy_safe = jnp.where(pxy != 0.0, pxy, 1.0)
    px_py = px * py
    mi = jnp.sum(pxy_safe * jnp.log2(pxy_safe / (px_py + 1e-06)))
    h1 = jnp.sum(hist, axis=1, keepdims=True)
    h2 = jnp.sum(hist, axis=0, keepdims=True)
    e1 = -jnp.sum(jnp.where(h1 != 0.0, h1 * jnp.log2(jnp.where(h1 != 0.0, h1, 1.0)), 0.0))
    e2 = -jnp.sum(jnp.where(h2 != 0.0, h2 * jnp.log2(jnp.where(h2 != 0.0, h2, 1.0)), 0.0))
    nmi = 2.0 * mi / (e1 + e2 + 1e-06)
    out_ref[...] = jnp.reshape(-nmi, (1, 1))


def kernel(img1, img2):
    x = img1.reshape(_ROWS, _COLS)
    y = img2.reshape(_ROWS, _COLS)
    parts, ovf = _sc_hist(x, y)
    parts = parts.reshape(_NW, _BINS, _BINS * _L)
    out = pl.pallas_call(
        _nmi_tc,
        out_shape=jax.ShapeDtypeStruct((1, 1), jnp.float32),
    )(parts, ovf.reshape(_NW, _L))
    return out[0, 0]

# --- scband reference (transcript-rebuilt; emitter-appended) ---
"""Pipeline reference for scband-nmi-loss-17566416241189 (READ-ONLY COPY).

The authoritative reference and input builder live on the scoring server;
editing this copy changes nothing except your own understanding.
"""

import jax, jax.numpy as jnp
import numpy as np

BINS = 64
MIN_VAL = 0.0
MAX_VAL = 1.0


def setup_inputs(seed: int = 0) -> dict:
    key = jax.random.key(seed)
    k1, k2 = jax.random.split(key)
    img1 = jax.random.uniform(k1, (8, 3, 512, 512), dtype=jnp.float32)
    img2 = jax.random.uniform(k2, (8, 3, 512, 512), dtype=jnp.float32)
    return {"img1": img1, "img2": img2}


def _histogram_2d(x, y, bins, max_val):
    # torch.histc(x*max_val + y, bins=bins*bins, min=0, max=max_val*max_val)
    v = (x * max_val + y).reshape(-1)
    nbins = bins * bins
    hi = max_val * max_val
    # torch.histc ignores elements outside [min, max]; value == max goes to last bin
    valid = (v >= 0.0) & (v <= hi)
    idx = jnp.clip(jnp.floor(v / hi * nbins).astype(jnp.int32), 0, nbins - 1)
    hist = jnp.zeros((nbins,), dtype=jnp.float32).at[idx].add(
        jnp.where(valid, 1.0, 0.0))
    return hist.reshape(bins, bins)


def _mutual_information(hist):
    pxy = hist / jnp.sum(hist)
    px = jnp.sum(pxy, axis=1)
    py = jnp.sum(pxy, axis=0)
    pxy_safe = jnp.where(pxy != 0, pxy, jnp.ones_like(pxy))
    px_py = px[:, None] * py[None, :]
    mi = jnp.sum(pxy_safe * jnp.log2(pxy_safe / (px_py + 1e-06)))
    return mi


def _masked_entropy(h):
    # -sum(h[h != 0] * log2(h[h != 0])) with counts (not probabilities), as in original
    safe = jnp.where(h != 0, h, 1.0)
    return -jnp.sum(jnp.where(h != 0, h * jnp.log2(safe), 0.0))


def reference(img1, img2):
    x = img1.reshape(img1.shape[0], -1)
    y = img2.reshape(img2.shape[0], -1)
    hist_2d = _histogram_2d(x, y, BINS, MAX_VAL)
    mi = _mutual_information(hist_2d)
    hist1 = jnp.sum(hist_2d, axis=1)
    hist2 = jnp.sum(hist_2d, axis=0)
    entropy1 = _masked_entropy(hist1)
    entropy2 = _masked_entropy(hist2)
    nmi = 2.0 * mi / (entropy1 + entropy2 + 1e-06)
    return -nmi

if __name__ == "__main__":
    import jax
    _d = setup_inputs()
    print(jax.jit(kernel)(*tuple(_d.values())))

</pallas_src>

<mosaic_0001>
#map = affine_map<(d0, d1) -> (0, 0)>
#map1 = affine_map<(d0, d1) -> (0)>
module attributes {stable_mosaic.version = 14 : i64} {
  func.func @_sc_hist(%arg0: i32, %arg1: i32, %arg2: memref<12288x512xf32, #tpu.memory_space<hbm>>, %arg3: memref<12288x512xf32, #tpu.memory_space<hbm>>, %arg4: memref<2097152xf32, #tpu.memory_space<hbm>>, %arg5: memref<512xf32, #tpu.memory_space<hbm>>, %arg6: memref<24x512xf32, #tpu.memory_space<vmem>>, %arg7: memref<24x512xf32, #tpu.memory_space<vmem>>, %arg8: memref<24x512xf32, #tpu.memory_space<vmem>>, %arg9: memref<24x512xf32, #tpu.memory_space<vmem>>, %arg10: memref<65664xf32, #tpu.memory_space<vmem>>, %arg11: memref<!tpu.dma_semaphore, #tpu.memory_space<semaphore_mem>>, %arg12: memref<!tpu.dma_semaphore, #tpu.memory_space<semaphore_mem>>, %arg13: memref<!tpu.dma_semaphore, #tpu.memory_space<semaphore_mem>>, %arg14: memref<!tpu.dma_semaphore, #tpu.memory_space<semaphore_mem>>) attributes {dimension_semantics = [#tpu.dimension_semantics<core_parallel>, #tpu.dimension_semantics<subcore_parallel>], iteration_bounds = array<i64: 2, 16>, scalar_prefetch = 0 : i64, scratch_operands = 9 : i64, tpu.core_type = #tpu.core_type<sc_vector_subcore>, window_params = [{transform_indices = #map}, {transform_indices = #map}, {transform_indices = #map1}, {transform_indices = #map1}]} {
    %mul3A = arith.constant 2 : i32
    %mul3A_0 = arith.muli %arg1, %mul3A : i32
    %add3A = arith.addi %mul3A_0, %arg0 : i32
    %mul3A_1 = arith.constant 384 : i32
    %mul3A_2 = arith.muli %add3A, %mul3A_1 : i32
    %broadcast_in_dim3A = arith.constant 0.000000e+00 : f32
    %broadcast_in_dim3A_3 = vector.broadcast %broadcast_in_dim3A : f32 to vector<16xf32>
    %parallel_loop3A = arith.constant 0 : i32
    %parallel_loop3A_4 = arith.constant 4104 : i32
    %parallel_loop3A_5 = arith.constant 1 : i32
    scf.for %parallel_loop3A_38 = %parallel_loop3A to %parallel_loop3A_4 step %parallel_loop3A_5  : i32 {
      %parallel_loop3A_39 = arith.constant 16 : i32
      %parallel_loop3A_40 = arith.muli %parallel_loop3A_38, %parallel_loop3A_39 : i32
      %parallel_loop3A_41 = arith.index_cast %parallel_loop3A_40 : i32 to index
      %parallel_loop3A_42 = tpu.vector_load %arg10[%parallel_loop3A_41] {strides = array<i32>} : memref<65664xf32, #tpu.memory_space<vmem>>, vector<16xf32>,
      tpu.vector_store %arg10[%parallel_loop3A_41], %broadcast_in_dim3A_3 {strides = array<i32>} : memref<65664xf32, #tpu.memory_space<vmem>>, vector<16xf32>,
    } {sc.loop_unroll_factor = 8 : i64, sc.parallel_access}
    %iota3A = tpu.iota {dimensions = array<i32: 0>} : vector<16xi32>
    %broadcast_in_dim3A_6 = arith.constant 1.000000e+00 : f32
    %broadcast_in_dim3A_7 = vector.broadcast %broadcast_in_dim3A_6 : f32 to vector<16xf32>
    %add3A_8 = arith.constant 0 : i32
    %add3A_9 = arith.addi %mul3A_2, %add3A_8 : i32
    %multiple_of3A = tpu.assume_multiple %add3A_9, 24 : i32
    %dma_start3A = arith.constant 0 : i32
    %dma_start3A_10 = tpu.memref_slice %arg2[%multiple_of3A, %dma_start3A] : memref<12288x512xf32, #tpu.memory_space<hbm>> -> memref<24x512xf32, #tpu.memory_space<hbm>>
    %dma_start3A_11 = arith.constant 0 : i32
    %dma_start3A_12 = tpu.memref_slice %arg2[%multiple_of3A, %dma_start3A_11] : memref<12288x512xf32, #tpu.memory_space<hbm>> -> memref<24x512xf32, #tpu.memory_space<hbm>>
    tpu.enqueue_dma source(%dma_start3A_12 : memref<24x512xf32, #tpu.memory_space<hbm>>) target(%arg6 : memref<24x512xf32, #tpu.memory_space<vmem>>) target_semaphore(%arg11 : memref<!tpu.dma_semaphore, #tpu.memory_space<semaphore_mem>>)
    %dma_start3A_13 = arith.constant 0 : i32
    %dma_start3A_14 = tpu.memref_slice %arg3[%multiple_of3A, %dma_start3A_13] : memref<12288x512xf32, #tpu.memory_space<hbm>> -> memref<24x512xf32, #tpu.memory_space<hbm>>
    %dma_start3A_15 = arith.constant 0 : i32
    %dma_start3A_16 = tpu.memref_slice %arg3[%multiple_of3A, %dma_start3A_15] : memref<12288x512xf32, #tpu.memory_space<hbm>> -> memref<24x512xf32, #tpu.memory_space<hbm>>
    tpu.enqueue_dma source(%dma_start3A_16 : memref<24x512xf32, #tpu.memory_space<hbm>>) target(%arg8 : memref<24x512xf32, #tpu.memory_space<vmem>>) target_semaphore(%arg13 : memref<!tpu.dma_semaphore, #tpu.memory_space<semaphore_mem>>)
    %add3A_17 = arith.constant 24 : i32
    %add3A_18 = arith.addi %mul3A_2, %add3A_17 : i32
    %multiple_of3A_19 = tpu.assume_multiple %add3A_18, 24 : i32
    %dma_start3A_20 = arith.constant 0 : i32
    %dma_start3A_21 = tpu.memref_slice %arg2[%multiple_of3A_19, %dma_start3A_20] : memref<12288x512xf32, #tpu.memory_space<hbm>> -> memref<24x512xf32, #tpu.memory_space<hbm>>
    %dma_start3A_22 = arith.constant 0 : i32
    %dma_start3A_23 = tpu.memref_slice %arg2[%multiple_of3A_19, %dma_start3A_22] : memref<12288x512xf32, #tpu.memory_space<hbm>> -> memref<24x512xf32, #tpu.memory_space<hbm>>
    tpu.enqueue_dma source(%dma_start3A_23 : memref<24x512xf32, #tpu.memory_space<hbm>>) target(%arg7 : memref<24x512xf32, #tpu.memory_space<vmem>>) target_semaphore(%arg12 : memref<!tpu.dma_semaphore, #tpu.memory_space<semaphore_mem>>)
    %dma_start3A_24 = arith.constant 0 : i32
    %dma_start3A_25 = tpu.memref_slice %arg3[%multiple_of3A_19, %dma_start3A_24] : memref<12288x512xf32, #tpu.memory_space<hbm>> -> memref<24x512xf32, #tpu.memory_space<hbm>>
    %dma_start3A_26 = arith.constant 0 : i32
    %dma_start3A_27 = tpu.memref_slice %arg3[%multiple_of3A_19, %dma_start3A_26] : memref<12288x512xf32, #tpu.memory_space<hbm>> -> memref<24x512xf32, #tpu.memory_space<hbm>>
    tpu.enqueue_dma source(%dma_start3A_27 : memref<24x512xf32, #tpu.memory_space<hbm>>) target(%arg9 : memref<24x512xf32, #tpu.memory_space<vmem>>) target_semaphore(%arg14 : memref<!tpu.dma_semaphore, #tpu.memory_space<semaphore_mem>>)
    %scan3A = arith.constant 0 : i32
    %scan3A_28 = arith.constant 8 : i32
    %scan3A_29 = arith.addi %scan3A, %scan3A_28 : i32
    %scan3A_30 = arith.constant 1 : i32
    scf.for %scan3A_38 = %scan3A to %scan3A_29 step %scan3A_30  : i32 {
      %mul3A_39 = arith.constant 2 : i32
      %mul3A_40 = arith.muli %scan3A_38, %mul3A_39 : i32
      %add3A_41 = arith.constant 0 : i32
      %add3A_42 = arith.addi %add3A_41, %mul3A_40 : i32
      %dma_wait3A = arith.constant 0 : i32
      %dma_wait3A_43 = arith.constant 0 : i32
      %dma_wait3A_44 = tpu.memref_slice %arg2[%dma_wait3A, %dma_wait3A_43] : memref<12288x512xf32, #tpu.memory_space<hbm>> -> memref<24x512xf32, #tpu.memory_space<hbm>>
      %dma_wait3A_45 = arith.constant 0 : i32
      %dma_wait3A_46 = arith.constant 0 : i32
      %dma_wait3A_47 = tpu.memref_slice %arg2[%dma_wait3A_45, %dma_wait3A_46] : memref<12288x512xf32, #tpu.memory_space<hbm>> -> memref<24x512xf32, #tpu.memory_space<hbm>>
      tpu.wait_dma2 semaphore(%arg11 : memref<!tpu.dma_semaphore, #tpu.memory_space<semaphore_mem>>) src(%dma_wait3A_47 : memref<24x512xf32, #tpu.memory_space<hbm>>) dst(%arg6 : memref<24x512xf32, #tpu.memory_space<vmem>>)
      %dma_wait3A_48 = arith.constant 0 : i32
      %dma_wait3A_49 = arith.constant 0 : i32
      %dma_wait3A_50 = tpu.memref_slice %arg3[%dma_wait3A_48, %dma_wait3A_49] : memref<12288x512xf32, #tpu.memory_space<hbm>> -> memref<24x512xf32, #tpu.memory_space<hbm>>
      %dma_wait3A_51 = arith.constant 0 : i32
      %dma_wait3A_52 = arith.constant 0 : i32
      %dma_wait3A_53 = tpu.memref_slice %arg3[%dma_wait3A_51, %dma_wait3A_52] : memref<12288x512xf32, #tpu.memory_space<hbm>> -> memref<24x512xf32, #tpu.memory_space<hbm>>
      tpu.wait_dma2 semaphore(%arg13 : memref<!tpu.dma_semaphore, #tpu.memory_space<semaphore_mem>>) src(%dma_wait3A_53 : memref<24x512xf32, #tpu.memory_space<hbm>>) dst(%arg8 : memref<24x512xf32, #tpu.memory_space<vmem>>)
      %parallel_loop3A_54 = arith.constant 0 : i32
      %parallel_loop3A_55 = arith.constant 768 : i32
      %parallel_loop3A_56 = arith.constant 1 : i32
      scf.for %parallel_loop3A_87 = %parallel_loop3A_54 to %parallel_loop3A_55 step %parallel_loop3A_56  : i32 {
        %parallel_loop3A_88 = arith.constant 5 : i32
        %parallel_loop3A_89 = arith.shrui %parallel_loop3A_87, %parallel_loop3A_88 : i32
        %parallel_loop3A_90 = arith.constant 31 : i32
        %parallel_loop3A_91 = arith.andi %parallel_loop3A_87, %parallel_loop3A_90 : i32
        %parallel_loop3A_92 = arith.constant 4 : i32
        %parallel_loop3A_93 = arith.shli %parallel_loop3A_91, %parallel_loop3A_92 : i32
        %parallel_loop3A_94 = arith.index_cast %parallel_loop3A_89 : i32 to index
        %parallel_loop3A_95 = arith.index_cast %parallel_loop3A_93 : i32 to index
        %parallel_loop3A_96 = tpu.vector_load %arg6[%parallel_loop3A_94, %parallel_loop3A_95] {strides = array<i32>} : memref<24x512xf32, #tpu.memory_space<vmem>>, vector<16xf32>,
        %parallel_loop3A_97 = arith.index_cast %parallel_loop3A_89 : i32 to index
        %parallel_loop3A_98 = arith.index_cast %parallel_loop3A_93 : i32 to index
        %parallel_loop3A_99 = tpu.vector_load %arg8[%parallel_loop3A_97, %parallel_loop3A_98] {strides = array<i32>} : memref<24x512xf32, #tpu.memory_space<vmem>>, vector<16xf32>,
        %parallel_loop3A_100 = arith.addf %parallel_loop3A_96, %parallel_loop3A_99 : vector<16xf32>
        %parallel_loop3A_101 = arith.constant 4.096000e+03 : f32
        %parallel_loop3A_102 = vector.broadcast %parallel_loop3A_101 : f32 to vector<16xf32>
        %parallel_loop3A_103 = arith.mulf %parallel_loop3A_100, %parallel_loop3A_102 : vector<16xf32>
        %parallel_loop3A_104 = arith.fptosi %parallel_loop3A_103 : vector<16xf32> to vector<16xi32>
        %parallel_loop3A_105 = arith.constant 4 : i32
        %parallel_loop3A_106 = vector.broadcast %parallel_loop3A_105 : i32 to vector<16xi32>
        %parallel_loop3A_107 = arith.shli %parallel_loop3A_104, %parallel_loop3A_106 : vector<16xi32>
        %parallel_loop3A_108 = arith.addi %parallel_loop3A_107, %iota3A : vector<16xi32>
        %parallel_loop3A_109 = arith.constant 1.000000e+00 : f32
        %parallel_loop3A_110 = vector.broadcast %parallel_loop3A_109 : f32 to vector<16xf32>
        %parallel_loop3A_111 = arith.cmpf ole, %parallel_loop3A_100, %parallel_loop3A_110 : vector<16xf32>
        tpu.vector_store_idx %arg10[%parallel_loop3A_108], %broadcast_in_dim3A_7 masked %parallel_loop3A_111 {add = true} : memref<65664xf32, #tpu.memory_space<vmem>>[vector<16xi32>], vector<16xf32>, vector<16xi1>
      } {sc.loop_unroll_factor = 4 : i64, sc.parallel_access}
      %add3A_57 = arith.constant 2 : i32
      %add3A_58 = arith.addi %add3A_42, %add3A_57 : i32
      %add3A_59 = arith.constant 0 : i32
      %add3A_60 = arith.addi %add3A_58, %add3A_59 : i32
      %lt3A = arith.constant 16 : i32
      %lt3A_61 = arith.cmpi slt, %add3A_60, %lt3A : i32
      %convert_element_type3A = arith.extui %lt3A_61 : i1 to i32
      %cond3A = arith.constant 0 : i32
      %cond3A_62 = arith.cmpi ne, %convert_element_type3A, %cond3A : i32
      scf.if %cond3A_62 {
        %mul3A_87 = arith.constant 24 : i32
        %mul3A_88 = arith.muli %add3A_60, %mul3A_87 : i32
        %add3A_89 = arith.addi %mul3A_2, %mul3A_88 : i32
        %multiple_of3A_90 = tpu.assume_multiple %add3A_89, 24 : i32
        %dma_start3A_91 = arith.constant 0 : i32
        %dma_start3A_92 = tpu.memref_slice %arg2[%multiple_of3A_90, %dma_start3A_91] : memref<12288x512xf32, #tpu.memory_space<hbm>> -> memref<24x512xf32, #tpu.memory_space<hbm>>
        %dma_start3A_93 = arith.constant 0 : i32
        %dma_start3A_94 = tpu.memref_slice %arg2[%multiple_of3A_90, %dma_start3A_93] : memref<12288x512xf32, #tpu.memory_space<hbm>> -> memref<24x512xf32, #tpu.memory_space<hbm>>
        tpu.enqueue_dma source(%dma_start3A_94 : memref<24x512xf32, #tpu.memory_space<hbm>>) target(%arg6 : memref<24x512xf32, #tpu.memory_space<vmem>>) target_semaphore(%arg11 : memref<!tpu.dma_semaphore, #tpu.memory_space<semaphore_mem>>)
        %dma_start3A_95 = arith.constant 0 : i32
        %dma_start3A_96 = tpu.memref_slice %arg3[%multiple_of3A_90, %dma_start3A_95] : memref<12288x512xf32, #tpu.memory_space<hbm>> -> memref<24x512xf32, #tpu.memory_space<hbm>>
        %dma_start3A_97 = arith.constant 0 : i32
        %dma_start3A_98 = tpu.memref_slice %arg3[%multiple_of3A_90, %dma_start3A_97] : memref<12288x512xf32, #tpu.memory_space<hbm>> -> memref<24x512xf32, #tpu.memory_space<hbm>>
        tpu.enqueue_dma source(%dma_start3A_98 : memref<24x512xf32, #tpu.memory_space<hbm>>) target(%arg8 : memref<24x512xf32, #tpu.memory_space<vmem>>) target_semaphore(%arg13 : memref<!tpu.dma_semaphore, #tpu.memory_space<semaphore_mem>>)
      } else {
      }
      %dma_wait3A_63 = arith.constant 0 : i32
      %dma_wait3A_64 = arith.constant 0 : i32
      %dma_wait3A_65 = tpu.memref_slice %arg2[%dma_wait3A_63, %dma_wait3A_64] : memref<12288x512xf32, #tpu.memory_space<hbm>> -> memref<24x512xf32, #tpu.memory_space<hbm>>
      %dma_wait3A_66 = arith.constant 0 : i32
      %dma_wait3A_67 = arith.constant 0 : i32
      %dma_wait3A_68 = tpu.memref_slice %arg2[%dma_wait3A_66, %dma_wait3A_67] : memref<12288x512xf32, #tpu.memory_space<hbm>> -> memref<24x512xf32, #tpu.memory_space<hbm>>
      tpu.wait_dma2 semaphore(%arg12 : memref<!tpu.dma_semaphore, #tpu.memory_space<semaphore_mem>>) src(%dma_wait3A_68 : memref<24x512xf32, #tpu.memory_space<hbm>>) dst(%arg7 : memref<24x512xf32, #tpu.memory_space<vmem>>)
      %dma_wait3A_69 = arith.constant 0 : i32
      %dma_wait3A_70 = arith.constant 0 : i32
      %dma_wait3A_71 = tpu.memref_slice %arg3[%dma_wait3A_69, %dma_wait3A_70] : memref<12288x512xf32, #tpu.memory_space<hbm>> -> memref<24x512xf32, #tpu.memory_space<hbm>>
      %dma_wait3A_72 = arith.constant 0 : i32
      %dma_wait3A_73 = arith.constant 0 : i32
      %dma_wait3A_74 = tpu.memref_slice %arg3[%dma_wait3A_72, %dma_wait3A_73] : memref<12288x512xf32, #tpu.memory_space<hbm>> -> memref<24x512xf32, #tpu.memory_space<hbm>>
      tpu.wait_dma2 semaphore(%arg14 : memref<!tpu.dma_semaphore, #tpu.memory_space<semaphore_mem>>) src(%dma_wait3A_74 : memref<24x512xf32, #tpu.memory_space<hbm>>) dst(%arg9 : memref<24x512xf32, #tpu.memory_space<vmem>>)
      %parallel_loop3A_75 = arith.constant 0 : i32
      %parallel_loop3A_76 = arith.constant 768 : i32
      %parallel_loop3A_77 = arith.constant 1 : i32
      scf.for %parallel_loop3A_87 = %parallel_loop3A_75 to %parallel_loop3A_76 step %parallel_loop3A_77  : i32 {
        %parallel_loop3A_88 = arith.constant 5 : i32
        %parallel_loop3A_89 = arith.shrui %parallel_loop3A_87, %parallel_loop3A_88 : i32
        %parallel_loop3A_90 = arith.constant 31 : i32
        %parallel_loop3A_91 = arith.andi %parallel_loop3A_87, %parallel_loop3A_90 : i32
        %parallel_loop3A_92 = arith.constant 4 : i32
        %parallel_loop3A_93 = arith.shli %parallel_loop3A_91, %parallel_loop3A_92 : i32
        %parallel_loop3A_94 = arith.index_cast %parallel_loop3A_89 : i32 to index
        %parallel_loop3A_95 = arith.index_cast %parallel_loop3A_93 : i32 to index
        %parallel_loop3A_96 = tpu.vector_load %arg7[%parallel_loop3A_94, %parallel_loop3A_95] {strides = array<i32>} : memref<24x512xf32, #tpu.memory_space<vmem>>, vector<16xf32>,
        %parallel_loop3A_97 = arith.index_cast %parallel_loop3A_89 : i32 to index
        %parallel_loop3A_98 = arith.index_cast %parallel_loop3A_93 : i32 to index
        %parallel_loop3A_99 = tpu.vector_load %arg9[%parallel_loop3A_97, %parallel_loop3A_98] {strides = array<i32>} : memref<24x512xf32, #tpu.memory_space<vmem>>, vector<16xf32>,
        %parallel_loop3A_100 = arith.addf %parallel_loop3A_96, %parallel_loop3A_99 : vector<16xf32>
        %parallel_loop3A_101 = arith.constant 4.096000e+03 : f32
        %parallel_loop3A_102 = vector.broadcast %parallel_loop3A_101 : f32 to vector<16xf32>
        %parallel_loop3A_103 = arith.mulf %parallel_loop3A_100, %parallel_loop3A_102 : vector<16xf32>
        %parallel_loop3A_104 = arith.fptosi %parallel_loop3A_103 : vector<16xf32> to vector<16xi32>
        %parallel_loop3A_105 = arith.constant 4 : i32
        %parallel_loop3A_106 = vector.broadcast %parallel_loop3A_105 : i32 to vector<16xi32>
        %parallel_loop3A_107 = arith.shli %parallel_loop3A_104, %parallel_loop3A_106 : vector<16xi32>
        %parallel_loop3A_108 = arith.addi %parallel_loop3A_107, %iota3A : vector<16xi32>
        %parallel_loop3A_109 = arith.constant 1.000000e+00 : f32
        %parallel_loop3A_110 = vector.broadcast %parallel_loop3A_109 : f32 to vector<16xf32>
        %parallel_loop3A_111 = arith.cmpf ole, %parallel_loop3A_100, %parallel_loop3A_110 : vector<16xf32>
        tpu.vector_store_idx %arg10[%parallel_loop3A_108], %broadcast_in_dim3A_7 masked %parallel_loop3A_111 {add = true} : memref<65664xf32, #tpu.memory_space<vmem>>[vector<16xi32>], vector<16xf32>, vector<16xi1>
      } {sc.loop_unroll_factor = 4 : i64, sc.parallel_access}
      %add3A_78 = arith.constant 2 : i32
      %add3A_79 = arith.addi %add3A_42, %add3A_78 : i32
      %add3A_80 = arith.constant 1 : i32
      %add3A_81 = arith.addi %add3A_79, %add3A_80 : i32
      %lt3A_82 = arith.constant 16 : i32
      %lt3A_83 = arith.cmpi slt, %add3A_81, %lt3A_82 : i32
      %convert_element_type3A_84 = arith.extui %lt3A_83 : i1 to i32
      %cond3A_85 = arith.constant 0 : i32
      %cond3A_86 = arith.cmpi ne, %convert_element_type3A_84, %cond3A_85 : i32
      scf.if %cond3A_86 {
        %mul3A_87 = arith.constant 24 : i32
        %mul3A_88 = arith.muli %add3A_81, %mul3A_87 : i32
        %add3A_89 = arith.addi %mul3A_2, %mul3A_88 : i32
        %multiple_of3A_90 = tpu.assume_multiple %add3A_89, 24 : i32
        %dma_start3A_91 = arith.constant 0 : i32
        %dma_start3A_92 = tpu.memref_slice %arg2[%multiple_of3A_90, %dma_start3A_91] : memref<12288x512xf32, #tpu.memory_space<hbm>> -> memref<24x512xf32, #tpu.memory_space<hbm>>
        %dma_start3A_93 = arith.constant 0 : i32
        %dma_start3A_94 = tpu.memref_slice %arg2[%multiple_of3A_90, %dma_start3A_93] : memref<12288x512xf32, #tpu.memory_space<hbm>> -> memref<24x512xf32, #tpu.memory_space<hbm>>
        tpu.enqueue_dma source(%dma_start3A_94 : memref<24x512xf32, #tpu.memory_space<hbm>>) target(%arg7 : memref<24x512xf32, #tpu.memory_space<vmem>>) target_semaphore(%arg12 : memref<!tpu.dma_semaphore, #tpu.memory_space<semaphore_mem>>)
        %dma_start3A_95 = arith.constant 0 : i32
        %dma_start3A_96 = tpu.memref_slice %arg3[%multiple_of3A_90, %dma_start3A_95] : memref<12288x512xf32, #tpu.memory_space<hbm>> -> memref<24x512xf32, #tpu.memory_space<hbm>>
        %dma_start3A_97 = arith.constant 0 : i32
        %dma_start3A_98 = tpu.memref_slice %arg3[%multiple_of3A_90, %dma_start3A_97] : memref<12288x512xf32, #tpu.memory_space<hbm>> -> memref<24x512xf32, #tpu.memory_space<hbm>>
        tpu.enqueue_dma source(%dma_start3A_98 : memref<24x512xf32, #tpu.memory_space<hbm>>) target(%arg9 : memref<24x512xf32, #tpu.memory_space<vmem>>) target_semaphore(%arg14 : memref<!tpu.dma_semaphore, #tpu.memory_space<semaphore_mem>>)
      } else {
      }
    }
    %scan3A_31 = arith.constant 8 : i32
    %mul3A_32 = arith.constant 4096 : i32
    %mul3A_33 = arith.muli %add3A, %mul3A_32 : i32
    %mul3A_34 = arith.constant 16 : i32
    %mul3A_35 = arith.muli %mul3A_33, %mul3A_34 : i32
    "tpu.region"() ({
      %run_scoped3A = tpu.sem_alloc : memref<!tpu.dma_semaphore, #tpu.memory_space<semaphore_mem>>
      %dma_start3A_38 = arith.constant 0 : i32
      %dma_start3A_39 = tpu.memref_slice %arg10[%dma_start3A_38] : memref<65664xf32, #tpu.memory_space<vmem>> -> memref<65536xf32, #tpu.memory_space<vmem>>
      %dma_start3A_40 = tpu.memref_slice %arg4[%mul3A_35] : memref<2097152xf32, #tpu.memory_space<hbm>> -> memref<65536xf32, #tpu.memory_space<hbm>>
      %dma_start3A_41 = tpu.memref_slice %arg4[%mul3A_35] : memref<2097152xf32, #tpu.memory_space<hbm>> -> memref<65536xf32, #tpu.memory_space<hbm>>
      %dma_start3A_42 = arith.constant 0 : i32
      %dma_start3A_43 = tpu.memref_slice %arg10[%dma_start3A_42] : memref<65664xf32, #tpu.memory_space<vmem>> -> memref<65536xf32, #tpu.memory_space<vmem>>
      tpu.enqueue_dma source(%dma_start3A_43 : memref<65536xf32, #tpu.memory_space<vmem>>) target(%dma_start3A_41 : memref<65536xf32, #tpu.memory_space<hbm>>) target_semaphore(%run_scoped3A : memref<!tpu.dma_semaphore, #tpu.memory_space<semaphore_mem>>)
      %dma_wait3A = arith.constant 0 : i32
      %dma_wait3A_44 = tpu.memref_slice %arg10[%dma_wait3A] : memref<65664xf32, #tpu.memory_space<vmem>> -> memref<65536xf32, #tpu.memory_space<vmem>>
      %dma_wait3A_45 = tpu.memref_slice %arg4[%mul3A_35] : memref<2097152xf32, #tpu.memory_space<hbm>> -> memref<65536xf32, #tpu.memory_space<hbm>>
      %dma_wait3A_46 = tpu.memref_slice %arg4[%mul3A_35] : memref<2097152xf32, #tpu.memory_space<hbm>> -> memref<65536xf32, #tpu.memory_space<hbm>>
      %dma_wait3A_47 = arith.constant 0 : i32
      %dma_wait3A_48 = tpu.memref_slice %arg10[%dma_wait3A_47] : memref<65664xf32, #tpu.memory_space<vmem>> -> memref<65536xf32, #tpu.memory_space<vmem>>
      tpu.wait_dma2 semaphore(%run_scoped3A : memref<!tpu.dma_semaphore, #tpu.memory_space<semaphore_mem>>) src(%dma_wait3A_48 : memref<65536xf32, #tpu.memory_space<vmem>>) dst(%dma_wait3A_46 : memref<65536xf32, #tpu.memory_space<hbm>>)
      tpu.yield
    }) : () -> ()
    %mul3A_36 = arith.constant 16 : i32
    %mul3A_37 = arith.muli %add3A, %mul3A_36 : i32
    "tpu.region"() ({
      %run_scoped3A = tpu.sem_alloc : memref<!tpu.dma_semaphore, #tpu.memory_space<semaphore_mem>>
      %dma_start3A_38 = arith.constant 65536 : i32
      %dma_start3A_39 = tpu.memref_slice %arg10[%dma_start3A_38] : memref<65664xf32, #tpu.memory_space<vmem>> -> memref<16xf32, #tpu.memory_space<vmem>>
      %dma_start3A_40 = tpu.memref_slice %arg5[%mul3A_37] : memref<512xf32, #tpu.memory_space<hbm>> -> memref<16xf32, #tpu.memory_space<hbm>>
      %dma_start3A_41 = tpu.memref_slice %arg5[%mul3A_37] : memref<512xf32, #tpu.memory_space<hbm>> -> memref<16xf32, #tpu.memory_space<hbm>>
      %dma_start3A_42 = arith.constant 65536 : i32
      %dma_start3A_43 = tpu.memref_slice %arg10[%dma_start3A_42] : memref<65664xf32, #tpu.memory_space<vmem>> -> memref<16xf32, #tpu.memory_space<vmem>>
      tpu.enqueue_dma source(%dma_start3A_43 : memref<16xf32, #tpu.memory_space<vmem>>) target(%dma_start3A_41 : memref<16xf32, #tpu.memory_space<hbm>>) target_semaphore(%run_scoped3A : memref<!tpu.dma_semaphore, #tpu.memory_space<semaphore_mem>>)
      %dma_wait3A = arith.constant 65536 : i32
      %dma_wait3A_44 = tpu.memref_slice %arg10[%dma_wait3A] : memref<65664xf32, #tpu.memory_space<vmem>> -> memref<16xf32, #tpu.memory_space<vmem>>
      %dma_wait3A_45 = tpu.memref_slice %arg5[%mul3A_37] : memref<512xf32, #tpu.memory_space<hbm>> -> memref<16xf32, #tpu.memory_space<hbm>>
      %dma_wait3A_46 = tpu.memref_slice %arg5[%mul3A_37] : memref<512xf32, #tpu.memory_space<hbm>> -> memref<16xf32, #tpu.memory_space<hbm>>
      %dma_wait3A_47 = arith.constant 65536 : i32
      %dma_wait3A_48 = tpu.memref_slice %arg10[%dma_wait3A_47] : memref<65664xf32, #tpu.memory_space<vmem>> -> memref<16xf32, #tpu.memory_space<vmem>>
      tpu.wait_dma2 semaphore(%run_scoped3A : memref<!tpu.dma_semaphore, #tpu.memory_space<semaphore_mem>>) src(%dma_wait3A_48 : memref<16xf32, #tpu.memory_space<vmem>>) dst(%dma_wait3A_46 : memref<16xf32, #tpu.memory_space<hbm>>)
      tpu.yield
    }) : () -> ()
    return
  }
}

module attributes {stable_mosaic.version = 14 : i64} {
  func.func @_nmi_tc(%arg0: memref<32x64x1024xf32, #tpu.memory_space<vmem>>, %arg1: memref<32x16xf32, #tpu.memory_space<vmem>>, %arg2: memref<1x1xf32, #tpu.memory_space<vmem>>) attributes {dimension_semantics = [], scalar_prefetch = 0 : i64, scratch_operands = 0 : i64, tpu.core_type = #tpu.core_type<tc>} {
    %get3A = arith.constant 0 : index
    %get3A_0 = arith.constant 0 : index
    %get3A_1 = arith.constant 0 : index
    %get3A_2 = vector.load %arg0[%get3A, %get3A_0, %get3A_1] : memref<32x64x1024xf32, #tpu.memory_space<vmem>>, vector<32x64x1024xf32>
    %reduce_sum3A = arith.constant dense<0.000000e+00> : vector<64x1024xf32>
    %reduce_sum3A_3 = vector.multi_reduction <add>, %get3A_2, %reduce_sum3A [0] : vector<32x64x1024xf32> to vector<64x1024xf32>
    %iota3A = tpu.iota {dimensions = array<i32: 0>} : vector<1024x64xi32>
    %iota3A_4 = tpu.iota {dimensions = array<i32: 1>} : vector<1024x64xi32>
    %shift_right_logical3A = arith.constant 4 : i32
    %shift_right_logical3A_5 = vector.broadcast %shift_right_logical3A : i32 to vector<1024x64xi32>
    %shift_right_logical3A_6 = arith.shrui %iota3A, %shift_right_logical3A_5 : vector<1024x64xi32>
    %eq3A = arith.cmpi eq, %shift_right_logical3A_6, %iota3A_4 : vector<1024x64xi32>
    %jit3A = arith.constant 1.000000e+00 : f32
    %jit3A_7 = arith.constant 0.000000e+00 : f32
    %broadcast_in_dim3A = vector.broadcast %jit3A : f32 to vector<1024x64xf32>
    %broadcast_in_dim3A_8 = vector.broadcast %jit3A_7 : f32 to vector<1024x64xf32>
    %select_n3A = arith.select %eq3A, %broadcast_in_dim3A, %broadcast_in_dim3A_8 : vector<1024x64xi1>, vector<1024x64xf32>
    %dot_general3A = arith.constant dense<0.000000e+00> : vector<64x64xf32>
    %dot_general3A_9 = tpu.matmul %reduce_sum3A_3, %select_n3A, %dot_general3A {dimension_numbers = #tpu.dot_dimension_numbers<[1], [0], [0], [1], [0, 0, 1, 1], [], []>, transpose_lhs_hint = false} : vector<64x1024xf32>, vector<1024x64xf32>, vector<64x64xf32> -> vector<64x64xf32>
    %get3A_10 = arith.constant 0 : index
    %get3A_11 = arith.constant 0 : index
    %get3A_12 = vector.load %arg1[%get3A_10, %get3A_11] : memref<32x16xf32, #tpu.memory_space<vmem>>, vector<32x16xf32>
    %reduce_sum3A_13 = vector.shape_cast %get3A_12 : vector<32x16xf32> to vector<1x32x16xf32>
    %reduce_sum3A_14 = arith.constant dense<0.000000e+00> : vector<1xf32>
    %reduce_sum3A_15 = vector.multi_reduction <add>, %reduce_sum3A_13, %reduce_sum3A_14 [1, 2] : vector<1x32x16xf32> to vector<1xf32>
    %reduce_sum3A_16 = vector.shape_cast %reduce_sum3A_15 : vector<1xf32> to vector<1x1x1xf32>
    %reduce_sum3A_17 = vector.extract %reduce_sum3A_16[0, 0, 0] : f32 from vector<1x1x1xf32>
    %iota3A_18 = tpu.iota {dimensions = array<i32: 0>} : vector<64x64xi32>
    %iota3A_19 = tpu.iota {dimensions = array<i32: 1>} : vector<64x64xi32>
    %eq3A_20 = arith.constant 63 : i32
    %eq3A_21 = vector.broadcast %eq3A_20 : i32 to vector<64x64xi32>
    %eq3A_22 = arith.cmpi eq, %iota3A_18, %eq3A_21 : vector<64x64xi32>
    %eq3A_23 = arith.constant 63 : i32
    %eq3A_24 = vector.broadcast %eq3A_23 : i32 to vector<64x64xi32>
    %eq3A_25 = arith.cmpi eq, %iota3A_19, %eq3A_24 : vector<64x64xi32>
    %and3A = arith.andi %eq3A_22, %eq3A_25 : vector<64x64xi1>
    %jit3A_26 = arith.constant 0.000000e+00 : f32
    %broadcast_in_dim3A_27 = vector.broadcast %reduce_sum3A_17 : f32 to vector<64x64xf32>
    %broadcast_in_dim3A_28 = vector.broadcast %jit3A_26 : f32 to vector<64x64xf32>
    %select_n3A_29 = arith.select %and3A, %broadcast_in_dim3A_27, %broadcast_in_dim3A_28 : vector<64x64xi1>, vector<64x64xf32>
    %add3A = arith.addf %dot_general3A_9, %select_n3A_29 : vector<64x64xf32>
    %reduce_sum3A_30 = vector.shape_cast %add3A : vector<64x64xf32> to vector<1x64x64xf32>
    %reduce_sum3A_31 = arith.constant dense<0.000000e+00> : vector<1xf32>
    %reduce_sum3A_32 = vector.multi_reduction <add>, %reduce_sum3A_30, %reduce_sum3A_31 [1, 2] : vector<1x64x64xf32> to vector<1xf32>
    %reduce_sum3A_33 = vector.shape_cast %reduce_sum3A_32 : vector<1xf32> to vector<1x1x1xf32>
    %reduce_sum3A_34 = vector.extract %reduce_sum3A_33[0, 0, 0] : f32 from vector<1x1x1xf32>
    %div3A = vector.broadcast %reduce_sum3A_34 : f32 to vector<64x64xf32>
    %div3A_35 = arith.divf %add3A, %div3A : vector<64x64xf32>
    %reduce_sum3A_36 = arith.constant dense<0.000000e+00> : vector<64xf32>
    %reduce_sum3A_37 = vector.multi_reduction <add>, %div3A_35, %reduce_sum3A_36 [1] : vector<64x64xf32> to vector<64xf32>
    %broadcast_in_dim3A_38 = vector.shape_cast %reduce_sum3A_37 : vector<64xf32> to vector<64x1xf32>
    %reduce_sum3A_39 = arith.constant dense<0.000000e+00> : vector<64xf32>
    %reduce_sum3A_40 = vector.multi_reduction <add>, %div3A_35, %reduce_sum3A_39 [0] : vector<64x64xf32> to vector<64xf32>
    %broadcast_in_dim3A_41 = vector.shape_cast %reduce_sum3A_40 : vector<64xf32> to vector<1x64xf32>
    %ne3A = arith.constant 0.000000e+00 : f32
    %ne3A_42 = vector.broadcast %ne3A : f32 to vector<64x64xf32>
    %ne3A_43 = arith.cmpf one, %div3A_35, %ne3A_42 : vector<64x64xf32>
    %jit3A_44 = arith.constant 1.000000e+00 : f32
    %broadcast_in_dim3A_45 = vector.broadcast %jit3A_44 : f32 to vector<64x64xf32>
    %select_n3A_46 = arith.select %ne3A_43, %div3A_35, %broadcast_in_dim3A_45 : vector<64x64xi1>, vector<64x64xf32>
    %mul3A = vector.broadcast %broadcast_in_dim3A_38 : vector<64x1xf32> to vector<64x64xf32>
    %mul3A_47 = vector.broadcast %broadcast_in_dim3A_41 : vector<1x64xf32> to vector<64x64xf32>
    %mul3A_48 = arith.mulf %mul3A, %mul3A_47 : vector<64x64xf32>
    %add3A_49 = arith.constant 9.99999997E-7 : f32
    %add3A_50 = vector.broadcast %add3A_49 : f32 to vector<64x64xf32>
    %add3A_51 = arith.addf %mul3A_48, %add3A_50 : vector<64x64xf32>
    %div3A_52 = arith.divf %select_n3A_46, %add3A_51 : vector<64x64xf32>
    %log3A = math.log %div3A_52 : vector<64x64xf32>
    %log3A_53 = arith.constant 2.000000e+00 : f32
    %log3A_54 = math.log %log3A_53 : f32
    %div3A_55 = vector.broadcast %log3A_54 : f32 to vector<64x64xf32>
    %div3A_56 = arith.divf %log3A, %div3A_55 : vector<64x64xf32>
    %mul3A_57 = arith.mulf %select_n3A_46, %div3A_56 : vector<64x64xf32>
    %reduce_sum3A_58 = vector.shape_cast %mul3A_57 : vector<64x64xf32> to vector<1x64x64xf32>
    %reduce_sum3A_59 = arith.constant dense<0.000000e+00> : vector<1xf32>
    %reduce_sum3A_60 = vector.multi_reduction <add>, %reduce_sum3A_58, %reduce_sum3A_59 [1, 2] : vector<1x64x64xf32> to vector<1xf32>
    %reduce_sum3A_61 = vector.shape_cast %reduce_sum3A_60 : vector<1xf32> to vector<1x1x1xf32>
    %reduce_sum3A_62 = vector.extract %reduce_sum3A_61[0, 0, 0] : f32 from vector<1x1x1xf32>
    %reduce_sum3A_63 = arith.constant dense<0.000000e+00> : vector<64xf32>
    %reduce_sum3A_64 = vector.multi_reduction <add>, %add3A, %reduce_sum3A_63 [1] : vector<64x64xf32> to vector<64xf32>
    %broadcast_in_dim3A_65 = vector.shape_cast %reduce_sum3A_64 : vector<64xf32> to vector<64x1xf32>
    %reduce_sum3A_66 = arith.constant dense<0.000000e+00> : vector<64xf32>
    %reduce_sum3A_67 = vector.multi_reduction <add>, %add3A, %reduce_sum3A_66 [0] : vector<64x64xf32> to vector<64xf32>
    %broadcast_in_dim3A_68 = vector.shape_cast %reduce_sum3A_67 : vector<64xf32> to vector<1x64xf32>
    %ne3A_69 = arith.constant 0.000000e+00 : f32
    %ne3A_70 = vector.broadcast %ne3A_69 : f32 to vector<64x1xf32>
    %ne3A_71 = arith.cmpf one, %broadcast_in_dim3A_65, %ne3A_70 : vector<64x1xf32>
    %ne3A_72 = arith.constant 0.000000e+00 : f32
    %ne3A_73 = vector.broadcast %ne3A_72 : f32 to vector<64x1xf32>
    %ne3A_74 = arith.cmpf one, %broadcast_in_dim3A_65, %ne3A_73 : vector<64x1xf32>
    %jit3A_75 = arith.constant 1.000000e+00 : f32
    %broadcast_in_dim3A_76 = vector.broadcast %jit3A_75 : f32 to vector<64x1xf32>
    %select_n3A_77 = arith.select %ne3A_74, %broadcast_in_dim3A_65, %broadcast_in_dim3A_76 : vector<64x1xi1>, vector<64x1xf32>
    %log3A_78 = math.log %select_n3A_77 : vector<64x1xf32>
    %log3A_79 = arith.constant 2.000000e+00 : f32
    %log3A_80 = math.log %log3A_79 : f32
    %div3A_81 = vector.broadcast %log3A_80 : f32 to vector<64x1xf32>
    %div3A_82 = arith.divf %log3A_78, %div3A_81 : vector<64x1xf32>
    %mul3A_83 = arith.mulf %broadcast_in_dim3A_65, %div3A_82 : vector<64x1xf32>
    %jit3A_84 = arith.constant 0.000000e+00 : f32
    %broadcast_in_dim3A_85 = vector.broadcast %jit3A_84 : f32 to vector<64x1xf32>
    %select_n3A_86 = arith.select %ne3A_71, %mul3A_83, %broadcast_in_dim3A_85 : vector<64x1xi1>, vector<64x1xf32>
    %reduce_sum3A_87 = vector.shape_cast %select_n3A_86 : vector<64x1xf32> to vector<1x64x1xf32>
    %reduce_sum3A_88 = arith.constant dense<0.000000e+00> : vector<1xf32>
    %reduce_sum3A_89 = vector.multi_reduction <add>, %reduce_sum3A_87, %reduce_sum3A_88 [1, 2] : vector<1x64x1xf32> to vector<1xf32>
    %reduce_sum3A_90 = vector.shape_cast %reduce_sum3A_89 : vector<1xf32> to vector<1x1x1xf32>
    %reduce_sum3A_91 = vector.extract %reduce_sum3A_90[0, 0, 0] : f32 from vector<1x1x1xf32>
    %neg3A = arith.constant 0.000000e+00 : f32
    %neg3A_92 = arith.subf %neg3A, %reduce_sum3A_91 : f32
    %ne3A_93 = arith.constant 0.000000e+00 : f32
    %ne3A_94 = vector.broadcast %ne3A_93 : f32 to vector<1x64xf32>
    %ne3A_95 = arith.cmpf one, %broadcast_in_dim3A_68, %ne3A_94 : vector<1x64xf32>
    %ne3A_96 = arith.constant 0.000000e+00 : f32
    %ne3A_97 = vector.broadcast %ne3A_96 : f32 to vector<1x64xf32>
    %ne3A_98 = arith.cmpf one, %broadcast_in_dim3A_68, %ne3A_97 : vector<1x64xf32>
    %jit3A_99 = arith.constant 1.000000e+00 : f32
    %broadcast_in_dim3A_100 = vector.broadcast %jit3A_99 : f32 to vector<1x64xf32>
    %select_n3A_101 = arith.select %ne3A_98, %broadcast_in_dim3A_68, %broadcast_in_dim3A_100 : vector<1x64xi1>, vector<1x64xf32>
    %log3A_102 = math.log %select_n3A_101 : vector<1x64xf32>
    %log3A_103 = arith.constant 2.000000e+00 : f32
    %log3A_104 = math.log %log3A_103 : f32
    %div3A_105 = vector.broadcast %log3A_104 : f32 to vector<1x64xf32>
    %div3A_106 = arith.divf %log3A_102, %div3A_105 : vector<1x64xf32>
    %mul3A_107 = arith.mulf %broadcast_in_dim3A_68, %div3A_106 : vector<1x64xf32>
    %jit3A_108 = arith.constant 0.000000e+00 : f32
    %broadcast_in_dim3A_109 = vector.broadcast %jit3A_108 : f32 to vector<1x64xf32>
    %select_n3A_110 = arith.select %ne3A_95, %mul3A_107, %broadcast_in_dim3A_109 : vector<1x64xi1>, vector<1x64xf32>
    %reduce_sum3A_111 = vector.shape_cast %select_n3A_110 : vector<1x64xf32> to vector<1x1x64xf32>
    %reduce_sum3A_112 = arith.constant dense<0.000000e+00> : vector<1xf32>
    %reduce_sum3A_113 = vector.multi_reduction <add>, %reduce_sum3A_111, %reduce_sum3A_112 [1, 2] : vector<1x1x64xf32> to vector<1xf32>
    %reduce_sum3A_114 = vector.shape_cast %reduce_sum3A_113 : vector<1xf32> to vector<1x1x1xf32>
    %reduce_sum3A_115 = vector.extract %reduce_sum3A_114[0, 0, 0] : f32 from vector<1x1x1xf32>
    %neg3A_116 = arith.constant 0.000000e+00 : f32
    %neg3A_117 = arith.subf %neg3A_116, %reduce_sum3A_115 : f32
    %mul3A_118 = arith.constant 2.000000e+00 : f32
    %mul3A_119 = arith.mulf %mul3A_118, %reduce_sum3A_62 : f32
    %add3A_120 = arith.addf %neg3A_92, %neg3A_117 : f32
    %add3A_121 = arith.constant 9.99999997E-7 : f32
    %add3A_122 = arith.addf %add3A_120, %add3A_121 : f32
    %div3A_123 = arith.divf %mul3A_119, %add3A_122 : f32
    %neg3A_124 = arith.constant 0.000000e+00 : f32
    %neg3A_125 = arith.subf %neg3A_124, %div3A_123 : f32
    %reshape3A = vector.broadcast %neg3A_125 : f32 to vector<1x1xf32>
    %swap3A = arith.constant 0 : index
    %swap3A_126 = arith.constant 0 : index
    %swap3A_127 = vector.load %arg2[%swap3A, %swap3A_126] : memref<1x1xf32, #tpu.memory_space<vmem>>, vector<1x1xf32>
    tpu.vector_store %arg2[%swap3A, %swap3A_126], %reshape3A {strides = array<i32>} : memref<1x1xf32, #tpu.memory_space<vmem>>, vector<1x1xf32>,
    return
  }
}

</mosaic_0001>

<sc_bundles>
// kernel: kernel.4.cloned.1.call-start
scs
__scs_entry_jumppad:
0x0: {  	(pc) =	sbr.rel $0x88, $3  }
0x1: {  	(tag) =	ssettag $0x0;
	lr =	simm.s32 $0x1  }
0x2: {  	[smem:$0x3F9F] =	sst lr;
	_ =	strace $0xD0000000  }
0x3: {  	_ = 	snop  }
0x4: {  	_ = 	snop  }
0x5: {  	_ = 	snop  }
0x6: {  	_ = 	snop  }
0x7: {  	_ = 	snop  }
__scs_overlays_trampoline_lowered:
0x8: {  	[smem:$0x3FAE] =	sst s0  }
0x9: {  	[smem:$0x3FAF] =	sst s1  }
0xa: {  	[smem:$0x3FB0] =	sst s2  }
0xb: {  	[smem:$0x3FB1] =	sst s3  }
0xc: {  	[smem:$0x3FB2] =	sst s4  }
0xd: {  	[smem:$0x3FB3] =	sst s5  }
0xe: {  	[smem:$0x3FB4] =	sst s6  }
0xf: {  	[smem:$0x3FB5] =	sst s7  }
0x10: {  	[smem:$0x3FB6] =	sst s8  }
0x11: {  	[smem:$0x3FB7] =	sst s9;
	s0 =	simm.s32 @!p0 $0x0  }
0x12: {  	s1 =	sld [smem:$0x3F9D];
	s0 =	simm.s32 @p0 $0x1  }
0x13: {  	[smem:$0x3FB8] =	sst s0;
	s0 =	simm.s32 @!p1 $0x0  }
0x14: {  	s2 =	sld [smem:$0x3F9C];
	s0 =	simm.s32 @p1 $0x1  }
0x15: {  	[smem:$0x3FB9] =	sst s0;
	s0 =	simm.s32 @!p2 $0x0  }
0x16: {  	s3 =	sld [smem:$0x3FDB];
	s0 =	simm.s32 @p2 $0x1  }
0x17: {  	s4 =	simm.s32 $0x1BF5;
	[smem:$0x3FBB] =	sst s0  }
0x18: {  	s0 =	sld [smem:$0x3F9E];
	_ =	swait.ge [sflag:s4], $0x0  }
0x19: {  	s7 =	sld [smem:$0x3F9F]  }
0x1a: {  	s8 =	sadd.s32 $0xFFFFE003, lr  }
0x1b: {  	s9 =	sadd.s32 $0xFFFFFEF7, lr;
	s5 =	simm.s32 $0xFFFFFFFF;
	p2 =	slt.u32 s8, $0xFFFFF086  }
0x1c: {  	p1 =	slt.u32 s9, $0xF7A;
	s5 =	simm.s32 @!p2 $0x0  }
0x1d: {  	s5 =	simm.s32 @p1 $0x1;
	p0 =	seq.s32 s7, s2  }
0x1e: {  	s7 =	smul.u32 @!p0 $0xF7A, s2;
	p2 =	seq.s32 @!p0 s5, $0x0  }
0x1f: {  	s9 =	smul.u32 $0xF7A, s1;
	s8 =	simm.s32 @!p0 $0x1BF5;
	p2 =	por !p2, p0  }
0x20: {  	[sflag:s8] =	ssyncset.s32 @!p0 $0xFFFFF086;
	s6 =	sadd.s32 @!p0 s3, s7;
	s7 =	simm.s32 @!p0 $0x108  }
0x21: {  	s3 =	sadd.s32 s3, s9;
	s6 =	sadd.s32 @!p0 $0x88, s6;
	s7 =	simm.s32 @p2 $0x1082  }
0x22: {  	[simem:s7], [sflag:s8] =	dma.local @!p0 [hbm:s6], $0xF7A  }
0x23: {  	s9 =	sor.u32 $0xD0000000, s2;
	s6 =	simm.s32 $0x108;
	_ =	swait.ge @!p0 [sflag:s8], $0x0  }
0x24: {  	s3 =	sadd.s32 $0x88, s3;
	s6 =	simm.s32 @!p1 $0x1082;
	[sflag:s4] =	ssyncset.s32 $0xFFFFF086  }
0x25: {  	[simem:s6], [sflag:s4] =	dma.local [hbm:s3], $0xF7A  }
0x26: {  	[smem:$0x3F9F] =	sst s1;
	(tag) =	ssettag s2;
	_ =	strace s9  }
0x27: {  	s1 =	sld [smem:$0x3FAF]  }
0x28: {  	s2 =	sld [smem:$0x3FB0]  }
0x29: {  	s4 =	sld [smem:$0x3FB2]  }
0x2a: {  	p0 =	seq.s32 s5, $0x0;
	s5 =	sld [smem:$0x3FB3]  }
0x2b: {  	s6 =	sld [smem:$0x3FB4]  }
0x2c: {  	s7 =	sld [smem:$0x3FB5]  }
0x2d: {  	s3 =	simm.s32 $0x108;
	s8 =	sld [smem:$0x3FB6]  }
0x2e: {  	s3 =	simm.s32 @!p0 $0x1082;
	s9 =	sld [smem:$0x3FB7]  }
0x2f: {  	lr =	sadd.s32 s0, s3;
	s0 =	sld [smem:$0x3FAE]  }
0x30: {  	s3 =	sld [smem:$0x3FB1]  }
0x31: {  	[smem:$0x3FBA] =	sst s10  }
0x32: {  	s10 =	sld [smem:$0x3FB8];
	_ =	sdelay $0x3  }
0x33: {  	p0 =	seq.s32 s10, $0x1;
	s10 =	sld [smem:$0x3FBA];
	_ =	sdelay $0x3  }
0x34: {  	[smem:$0x3FBA] =	sst s10  }
0x35: {  	s10 =	sld [smem:$0x3FB9];
	_ =	sdelay $0x3  }
0x36: {  	p1 =	seq.s32 s10, $0x1;
	s10 =	sld [smem:$0x3FBA];
	_ =	sdelay $0x3  }
0x37: {  	[smem:$0x3FBA] =	sst s10  }
0x38: {  	s10 =	sld [smem:$0x3FBB]  }
0x39: {  	_ = 	snop;
	(pc) =	sbr.ind lr, $3  }
0x3a: {  	_ = 	snop  }
0x3b: {  	_ = 	snop  }
0x3c: {  	p2 =	seq.s32 s10, $0x1;
	s10 =	sld [smem:$0x3FBA]  }
0x3d: {  	_ =	shalt  }
0x3e: {  	_ =	shalt  }
0x3f: {  	_ =	shalt  }
0x40: {  	_ =	shalt  }
0x41: {  	_ =	shalt  }
0x42: {  	_ =	shalt  }
0x43: {  	_ =	shalt  }
0x44: {  	_ =	shalt  }
0x45: {  	_ =	shalt  }
0x46: {  	_ =	shalt  }
0x47: {  	_ =	shalt  }
0x48: {  	_ =	shalt  }
0x49: {  	_ =	shalt  }
0x4a: {  	_ =	shalt  }
0x4b: {  	_ =	shalt  }
0x4c: {  	_ =	shalt  }
0x4d: {  	_ =	shalt  }
0x4e: {  	_ =	shalt  }
0x4f: {  	_ =	shalt  }
0x50: {  	_ =	shalt  }
0x51: {  	_ =	shalt  }
0x52: {  	_ =	shalt  }
0x53: {  	_ =	shalt  }
0x54: {  	_ =	shalt  }
0x55: {  	_ =	shalt  }
0x56: {  	_ =	shalt  }
0x57: {  	_ =	shalt  }
0x58: {  	_ =	shalt  }
0x59: {  	_ =	shalt  }
0x5a: {  	_ =	shalt  }
0x5b: {  	_ =	shalt  }
0x5c: {  	_ =	shalt  }
0x5d: {  	_ =	shalt  }
0x5e: {  	_ =	shalt  }
0x5f: {  	_ =	shalt  }
0x60: {  	_ =	shalt  }
0x61: {  	_ =	shalt  }
0x62: {  	_ =	shalt  }
0x63: {  	_ =	shalt  }
0x64: {  	_ =	shalt  }
0x65: {  	_ =	shalt  }
0x66: {  	_ =	shalt  }
0x67: {  	_ =	shalt  }
0x68: {  	_ =	shalt  }
0x69: {  	_ =	shalt  }
0x6a: {  	_ =	shalt  }
0x6b: {  	_ =	shalt  }
0x6c: {  	_ =	shalt  }
0x6d: {  	_ =	shalt  }
0x6e: {  	_ =	shalt  }
0x6f: {  	_ =	shalt  }
0x70: {  	_ =	shalt  }
0x71: {  	_ =	shalt  }
0x72: {  	_ =	shalt  }
0x73: {  	_ =	shalt  }
0x74: {  	_ =	shalt  }
0x75: {  	_ =	shalt  }
0x76: {  	_ =	shalt  }
0x77: {  	_ =	shalt  }
0x78: {  	_ =	shalt  }
0x79: {  	_ =	shalt  }
0x7a: {  	_ =	shalt  }
0x7b: {  	_ =	shalt  }
0x7c: {  	_ =	shalt  }
0x7d: {  	_ =	shalt  }
0x7e: {  	_ =	shalt  }
0x7f: {  	_ =	shalt  }
0x80: {  	_ =	shalt  }
0x81: {  	_ =	shalt  }
0x82: {  	_ =	shalt  }
0x83: {  	_ =	shalt  }
0x84: {  	_ =	shalt  }
0x85: {  	_ =	shalt  }
0x86: {  	_ =	shalt  }
0x87: {  	_ =	shalt  }
.Lfunc_end0:
.L_simem_size_0:
called_computation_lowered:
.L_overlay_start_0:
0x88: {  	s2 =	sld [smem:$0x3FD9]  }
0x89: {  	s3 =	sld [smem:$0x3FFE];
	_ =	sdelay $0x1  }
0x8a: {  	s1 =	srdreg.scid  }
0x8b: {  	s0 =	sand.u32 $0x1, s1  }
0x8c: {  	s17 =	sshll.u32 s0, $0xA;
	s2 =	sadd.s32 s3, s2  }
0x8d: {  	s2 =	sadd.s32 s2, s17  }
0x8e: {  	[smem:$0x3FC6] =	sst s2  }
0x8f: {  	_ = 	snop  }
0x90: {  	s2 =	sld [smem:$0x3FC9]  }
0x91: {  	s18 =	sld [smem:$0x3FC8];
	(tm) =	ssettm $0x1  }
0x92: {  	s4 =	sld [smem:$0x3FFB];
	_ =	sdelay $0x3  }
0x93: {  	_ =	strace s4  }
0x94: {  	s4 =	sld [smem:$0x3FFC];
	_ =	sdelay $0x3  }
0x95: {  	_ =	strace s4  }
0x96: {  	s4 =	sld [smem:$0x3FFD];
	_ =	sdelay $0x3  }
0x97: {  	_ =	strace s4  }
0x98: {  	_ =	strace $0x8FFFFFFF  }
0x99: {  	s19 =	sld [smem:$0x3FDB];
	_ =	sdelay $0x1  }
0x9a: {  	s5 =	simm.s32 $_scs_section_size  }
0x9b: {  	s6 =	simm.s32 $_size__tile_overlayer_lowered;
	s7 =	simm.s32 $_tile_overlayer_lowered  }
0x9c: {  	s22 =	simm.s32 $0x1BFF;
	s21 =	sshll.u32 s7, $0x1;
	s4 =	sadd.s32 s5, s19  }
0x9d: {  	s8 =	simm.s32 $0x0;
	s20 =	sshll.u32 s6, $0x1;
	s6 =	sadd.s32 s21, s4  }
0x9e: {  	[timem:s8], [sflag:s22] =	dma.local [hbm:s6], s20  }
0x9f: {  	_ =	swait.ge [sflag:s22], s20  }
0xa0: {  	s5 =	ssub.s32 $0x0, s20;
	[sflag:s22] =	ssyncset.done $0x0  }
0xa1: {  	[sflag:s22] =	ssyncadd.s32 s5;
	_ =	sdelay $0x1  }
0xa2: {  	s23 =	simm.s32 $0x1B8B  }
0xa3: {  	_ =	swait.ge [sflag:s23], $0x1  }
0xa4: {  	[sflag:s23] =	ssyncset.done $0x0  }
0xa5: {  	s25 =	simm.s32 $0x1B8E;
	s24 =	sld [smem:$0x3FFE];
	[sflag:s23] =	ssyncadd.s32 $0xFFFFFFFF  }
0xa6: {  	s26 =	simm.s32 $execute0_lowered;
	[smem:$0x3FD2] =	sst s25  }
0xa7: {  	s6 =	sshll.u32 s26, $0x1;
	_ =	strace $0x80000046;
	[dreg:$0x1] =	wrdreg $0xFFFFFFFF  }
0xa8: {  	s28 =	simm.s32 $_size_execute0_lowered;
	s4 =	sadd.s32 s4, s6;
	[dreg:$0x0] =	wrdreg $0x0  }
0xa9: {  	s6 =	sshll.u32 s28, $0x1;
	[dreg:$0x2] =	wrdreg s4  }
0xaa: {  	[dreg:$0x3] =	wrdreg s6  }
0xab: {  	[dreg:$0x4] =	wrdreg $0xC0  }
0xac: {  	_ =	task [dreg:s8], $0x5FFFF  }
0xad: {  	[dreg:$0x1] =	wrdreg $0xFFFFFFFF  }
0xae: {  	[dreg:$0x0] =	wrdreg $0x60  }
0xaf: {  	[dreg:$0x2] =	wrdreg s2  }
0xb0: {  	[dreg:$0x3] =	wrdreg s18  }
0xb1: {  	[dreg:$0x4] =	wrdreg s24  }
0xb2: {  	[dreg:$0x5] =	wrdreg $0x9  }
0xb3: {  	_ =	task.clear_ibuf [dreg:s8], $0x6FFFF;
	_ =	strace $0x90000046  }
0xb4: {  	s29 =	simm.s32 $0x9;
	_ =	strace $0x80000048  }
0xb5: {  	_ =	swait.ge [sflag:s29], $0x1  }
0xb6: {  	[sflag:s29] =	ssyncadd.s32 $0xFFFFFFFF  }
0xb7: {  	_ =	strace $0x90000048  }
0xb8: {  	_ =	sfence  }
0xb9: {  	s30 =	sld [smem:$0x0];
	_ =	sdelay $0x2  }
0xba: {  	s31 =	sshll.u32 s1, $0xD;
	s1 =	sshrl.u32 s1, $0x2  }
0xbb: {  	s3 =	sand.u32 $0x4000, s31;
	s1 =	sadd.s32 s1, s30  }
0xbc: {  	s0 =	sor.u32 s3, s0;
	s1 =	sshll.u32 s1, $0x11  }
0xbd: {  	s0 =	sor.u32 s1, s0  }
0xbe: {  	s0 =	sadd.s32 $0x8F2B, s0  }
0xbf: {  	[sflag:s0] =	ssyncadd.remote.s32 $0x1  }
0xc0: {  	_ =	sfence.sel $0xFFFF  }
0xc1: {  	[dreg:$0x0] =	wrdreg $0xFFFFFFFF;
	(pc) =	sbr.abs _section_cstart, $3  }
0xc2: {  	[dreg:$0x1] =	wrdreg $0xFFFFFFFF  }
0xc3: {  	_ =	task.clear_ibuf [dreg:s8], $0x2FFFF;
	_ =	strace $0x9FFFFFFF  }
0xc4: {  	(tm) =	ssettm $0x7FFFFFFF  }
0xc5: {  	_ =	shalt  }
tec
execute0_lowered:
.L_overlay_start_1:
0x0: {  	(tag) =	ssettag $0x1  }
0x1: {  	s1 =	rddreg [dreg:$0x0]  }
0x2: {  	s3 =	rddreg [dreg:$0x1];
	s2 =	srdreg.scid  }
0x3: {  	s0 =	stileid.u32;
	s5 =	rddreg [dreg:$0x2]  }
0x4: {  	s4 =	simm.s32 $0x0;
	s15 =	simm.s32 $0x3000;
	s16 =	simm.s32 $0x9000  }
0x5: {  	s17 =	simm.s32 $0x1;
	s18 =	simm.s32 $0x3;
	s19 =	simm.s32 $0xC000  }
0x6: {  	s20 =	simm.s32 $0x2;
	s21 =	simm.s32 $0x4;
	s22 =	simm.s32 $0x5  }
0x7: {  	s23 =	simm.s32 $0x1C000;
	s2 =	sand.u32 $0x1, s2;
	s6 =	sshll.u32 s0, $0x1  }
0x8: {  	s24 =	simm.s32 $0x0;
	[smem:$0x7FF] =	sst s4;
	s6 =	sor.u32 s2, s6  }
0x9: {  	_ =	strace $0x80000047;
	s2 =	ssub.s32 $0x2, s2;
	s9 =	smul.u32 $0x6000, s6  }
0xa: {  	s7 =	sshll.u32 s6, $0xD;
	s30 =	sshll.u32 s6, $0x1;
	s10 =	smul.u32 $0x180, s6  }
.Ltmp0:
0xb: {  	s8 =	sshrl.u32 s2, $0x1;
	s11 =	sadd.s32 s7, s5;
	(pc) =	sbr.rel .LBB2_1-.Ltmp0, $4  }
0xc: {  	s12 =	sadd.s32 s30, s5;
	s2 =	ssub.s32 s2, s8;
	s5 =	sadd.s32 s1, s9  }
0xd: {  	s6 =	sadd.s32 s3, s9;
	s31 =	sor.u32 $0x600, s9;
	s9 =	sor.u32 $0x30, s10  }
0xe: {  	s10 =	sor.u32 $0x48, s10;
	s11 =	sadd.s32 $0x800, s11;
	s12 =	sadd.s32 $0x40800, s12  }
0xf: {  	v0 =	vimm.f32 $0.0e+00;
	v1 =	vimm.f32 $1.000000000e+00;
	v2 =	vlaneseq.u32;
	s13 =	smax.u32 s2, $0x1;
	s7 =	sadd.s32 s1, s31;
	s8 =	sadd.s32 s3, s31  }
.LBB2_10:
0x10: {  	[hbm4b:s11+s4] =	stream.linear.scatter [tilespmem:s19], [sflag:$0x5], $0x10000, $0x38;
	[tilespmem:$0x1C080] =	vst v63  }
0x11: {  	s24 =	sadd.s32 $0x1, s24;
	_ =	swait.ge [sflag:s22], $0x10000  }
0x12: {  	p0 =	sne.s32 s24, s13;
	[sflag:s22] =	ssyncset.done $0x0  }
.Ltmp1:
0x13: {  	[sflag:s22] =	ssyncadd.s32 $0xFFFF0000;
	(pc) =	sbr.rel @!p0 .LBB2_11-.Ltmp1, $4  }
0x14: {  	[hbm4b:s12+s4] =	stream.linear.scatter [tilespmem:s23], [sflag:$0x5], $0x10, $0x38;
	[tilespmem:$0x1C080] =	vst v63  }
0x15: {  	_ =	swait.ge [sflag:s22], $0x10  }
0x16: {  	[sflag:s22] =	ssyncset.done $0x0  }
0x17: {  	[sflag:s22] =	ssyncadd.s32 $0xFFFFFFF0  }
.LBB2_1:
0x18: {  	s2 =	simm.s32 $0xC040  }
0x19: {  	[tilespmem:s2+$0xFFFFFFC0] =	vst v0  }
0x1a: {  	[tilespmem:s2+$0x30] =	vst v0  }
0x1b: {  	[tilespmem:s2+$0x20] =	vst v0  }
0x1c: {  	[tilespmem:s2+$0x10] =	vst v0  }
0x1d: {  	[tilespmem:s2+$0x0] =	vst v0  }
0x1e: {  	[tilespmem:s2+$0xFFFFFFF0] =	vst v0  }
0x1f: {  	s25 =	simm.s32 $0x0;
	[tilespmem:s2+$0xFFFFFFE0] =	vst v0  }
.LBB2_2:
0x20: {  	s25 =	sadd.s32 $0x8, s25;
	[tilespmem:s2+$0xFFFFFFD0] =	vst v0;
	s2 =	sadd.s32 $0x80, s2  }
0x21: {  	[tilespmem:s2+$0xFFFFFFC0] =	vst v0;
	p0 =	slt.u32 s25, $0x1000  }
0x22: {  	[tilespmem:s2+$0x30] =	vst v0  }
.Ltmp2:
0x23: {  	[tilespmem:s2+$0x20] =	vst v0;
	(pc) =	sbr.rel @p0 .LBB2_2-.Ltmp2, $4  }
0x24: {  	[tilespmem:s2+$0x10] =	vst v0  }
0x25: {  	[tilespmem:s2+$0x0] =	vst v0  }
0x26: {  	[tilespmem:s2+$0xFFFFFFF0] =	vst v0  }
0x27: {  	[tilespmem:s2+$0xFFFFFFE0] =	vst v0  }
0x28: {  	[tilespmem:s2+$0xFFFFFFD0] =	vst v0;
	s25 =	simm.s32 $0x0  }
0x29: {  	[tilespmem:s25], [sflag:$0x1] =	stream.linear.gather [hbm4b:s5+s25], $0x3000, $0x38;
	[tilespmem:$0x1C080] =	vst v63  }
0x2a: {  	s0 =	simm.s32 $0x6000  }
0x2b: {  	[tilespmem:s0], [sflag:$0x3] =	stream.linear.gather [hbm4b:s6+s25], $0x3000, $0x38;
	[tilespmem:$0x1C080] =	vst v63  }
0x2c: {  	_ = 	snop  }
0x2d: {  	[tilespmem:s15], [sflag:$0x2] =	stream.linear.gather [hbm4b:s7+s25], $0x3000, $0x38;
	[tilespmem:$0x1C080] =	vst v63  }
0x2e: {  	s26 =	simm.s32 $0x0  }
0x2f: {  	[tilespmem:s16], [sflag:$0x4] =	stream.linear.gather [hbm4b:s8+s25], $0x3000, $0x38;
	[tilespmem:$0x1C080] =	vst v63  }
.LBB2_4:
0x30: {  	_ =	swait.ge [sflag:s17], $0x3000  }
0x31: {  	[sflag:s17] =	ssyncset.done $0x0  }
0x32: {  	s2 =	sand.u32 $0x3000, s25;
	s28 =	sand.u32 $0xC00, s25;
	[sflag:s17] =	ssyncadd.s32 $0xFFFFD000  }
0x33: {  	s2 =	sor.u32 s28, s2;
	s28 =	sand.u32 $0x380, s25;
	_ =	swait.ge [sflag:s18], $0x3000  }
0x34: {  	s29 =	sand.u32 $0x40, s25;
	s2 =	sor.u32 s28, s2;
	[sflag:s18] =	ssyncset.done $0x0  }
0x35: {  	s2 =	sor.u32 s29, s2;
	[sflag:s18] =	ssyncadd.s32 $0xFFFFD000  }
0x36: {  	v3 =	vld [tilespmem:s2+$0x30]  }
0x37: {  	v4 =	vld [tilespmem:s2+$0x6030]  }
0x38: {  	v5 =	vld [tilespmem:s2+$0x0]  }
0x39: {  	v6 =	vld [tilespmem:s2+$0x6000]  }
0x3a: {  	v7 =	vld [tilespmem:s2+$0x10]  }
0x3b: {  	v8 =	vld [tilespmem:s2+$0x6010];
	_ =	sdelay $0x1  }
0x3c: {  	s28 =	simm.s32 $0x200;
	s29 =	simm.s32 $0x40;
	v3 =	vadd.f32 v4, v3  }
0x3d: {  	s31 =	simm.s32 $0x10;
	s28 =	sand.u32 $0xC00, s28;
	s30 =	sand.u32 $0x3000, s29  }
0x3e: {  	s28 =	sor.u32 s28, s30;
	s30 =	sand.u32 $0x380, s31;
	v5 =	vadd.f32 v6, v5;
	v6 =	vld [tilespmem:s2+$0x20];
	v4 =	vmul.f32 $4.096000000e+03, v3  }
0x3f: {  	s29 =	sand.u32 $0x40, s29;
	s28 =	sor.u32 s30, s28;
	v7 =	vadd.f32 v8, v7;
	v8 =	vld [tilespmem:s2+$0x6020]  }
0x40: {  	s0 =	sor.u32 s29, s28;
	v9 =	vmul.f32 $4.096000000e+03, v5;
	v4 =	vtrunc.f32 v4  }
0x41: {  	v10 =	vld [tilespmem:s0+$0x30];
	v11 =	vmul.f32 $4.096000000e+03, v7;
	v4 =	vcvt.f32.s32 v4  }
0x42: {  	v12 =	vld [tilespmem:s0+$0x6030];
	vm0 =	vle.f32 v3, $1.000000000e+00;
	vm1 =	vle.f32 v5, $1.000000000e+00;
	v9 =	vtrunc.f32 v9  }
0x43: {  	v13 =	vld [tilespmem:s0+$0x6010];
	v3 =	vcvt.f32.s32 v9;
	v9 =	vtrunc.f32 v11;
	v4 =	vshll.u32 v4, $0x4  }
0x44: {  	v11 =	vld [tilespmem:s0+$0x0];
	v5 =	vadd.f32 v8, v6;
	v9 =	vcvt.f32.s32 v9;
	v4 =	vor.u32 v2, v4  }
0x45: {  	vm2 =	vle.f32 v7, $1.000000000e+00;
	v6 =	vld [tilespmem:s0+$0x6000];
	v3 =	vshll.u32 v3, $0x4  }
0x46: {  	v7 =	vld [tilespmem:s0+$0x10];
	v3 =	vor.u32 v2, v3;
	v8 =	vshll.u32 v9, $0x4;
	v9 =	vmul.f32 $4.096000000e+03, v5  }
0x47: {  	s28 =	simm.s32 $0x400;
	s29 =	simm.s32 $0x80;
	v14 =	vld [tilespmem:s0+$0x6020];
	v10 =	vadd.f32 v12, v10  }
0x48: {  	s30 =	sand.u32 $0x3000, s29;
	s31 =	sand.u32 $0xC00, s28;
	s28 =	simm.s32 $0x20;
	v12 =	vld [tilespmem:s0+$0x20];
	v8 =	vor.u32 v2, v8;
	v9 =	vtrunc.f32 v9  }
0x49: {  	s14 =	sor.u32 s31, s30;
	s30 =	sand.u32 $0x380, s28;
	v9 =	vcvt.f32.s32 v9;
	[tilespmem:v4+s19+$0x0] =	vst.idx.add.f32.msk vm0, v1;
	v4 =	vmul.f32 $4.096000000e+03, v10  }
0x4a: {  	s29 =	sand.u32 $0x40, s29;
	s2 =	sor.u32 s30, s14;
	vm4 =	vle.f32 v10, $1.000000000e+00;
	v6 =	vadd.f32 v6, v11  }
0x4b: {  	s29 =	sor.u32 s29, s2;
	v7 =	vadd.f32 v13, v7;
	[tilespmem:v3+s19+$0x0] =	vst.idx.add.f32.msk vm1, v1;
	v3 =	vshll.u32 v9, $0x4;
	v4 =	vtrunc.f32 v4  }
0x4c: {  	v15 =	vld [tilespmem:s29+$0x6030];
	vm0 =	vle.f32 v5, $1.000000000e+00;
	v5 =	vmul.f32 $4.096000000e+03, v6;
	v4 =	vcvt.f32.s32 v4  }
0x4d: {  	v10 =	vadd.f32 v14, v12;
	vm1 =	vle.f32 v6, $1.000000000e+00;
	[tilespmem:v8+s19+$0x0] =	vst.idx.add.f32.msk vm2, v1;
	v8 =	vmul.f32 $4.096000000e+03, v7  }
0x4e: {  	v13 =	vld [tilespmem:s29+$0x30];
	v3 =	vor.u32 v2, v3;
	v5 =	vtrunc.f32 v5;
	v4 =	vshll.u32 v4, $0x4  }
0x4f: {  	v11 =	vld [tilespmem:s29+$0x6000];
	v14 =	vor.u32 v2, v4;
	v4 =	vcvt.f32.s32 v5;
	v5 =	vtrunc.f32 v8  }
0x50: {  	v9 =	vld [tilespmem:s29+$0x0];
	vm0 =	vmmov vm0;
	v6 =	vmul.f32 $4.096000000e+03, v10;
	v5 =	vcvt.f32.s32 v5  }
0x51: {  	vm2 =	vle.f32 v7, $1.000000000e+00;
	vm3 =	vle.f32 v10, $1.000000000e+00;
	v10 =	vld [tilespmem:s29+$0x6010];
	v4 =	vshll.u32 v4, $0x4  }
0x52: {  	v12 =	vtrunc.f32 v6;
	v8 =	vld [tilespmem:s29+$0x10];
	v4 =	vor.u32 v2, v4;
	v5 =	vshll.u32 v5, $0x4  }
0x53: {  	v7 =	vld [tilespmem:s29+$0x20];
	v6 =	vadd.f32 v15, v13;
	v12 =	vcvt.f32.s32 v12;
	v5 =	vor.u32 v2, v5  }
0x54: {  	s31 =	simm.s32 $0x600;
	s30 =	simm.s32 $0x8;
	s2 =	simm.s32 $0xC0;
	[tilespmem:v14+s19+$0x0] =	vst.idx.add.f32.msk vm4, v1  }
.LBB2_5:
0x55: {  	s0 =	sand.u32 $0x3000, s2;
	s14 =	sand.u32 $0xC00, s31;
	v9 =	vadd.f32 v11, v9;
	v11 =	vld [tilespmem:s29+$0x6020];
	v13 =	vmul.f32 $4.096000000e+03, v6;
	s28 =	sadd.s32 $0x10, s28;
	v12 =	vshll.u32 v12, $0x4  }
0x56: {  	s30 =	sadd.s32 $0x4, s30;
	s0 =	sor.u32 s14, s0;
	s14 =	sand.u32 $0x380, s28;
	[tilespmem:v3+s19+$0x0] =	vst.idx.add.f32.msk vm0, v1;
	v3 =	vor.u32 v2, v12;
	vm0 =	vmmov vm3  }
0x57: {  	s29 =	sand.u32 $0x40, s2;
	p0 =	slt.u32 s30, $0x2FC;
	s0 =	sor.u32 s14, s0;
	v12 =	vmul.f32 $4.096000000e+03, v9;
	v8 =	vadd.f32 v10, v8;
	v10 =	vtrunc.f32 v13;
	[tilespmem:v4+s19+$0x0] =	vst.idx.add.f32.msk vm1, v1  }
0x58: {  	vm1 =	vle.f32 v9, $1.000000000e+00;
	s29 =	sor.u32 s29, s0;
	v4 =	vcvt.f32.s32 v10;
	[tilespmem:v5+s19+$0x0] =	vst.idx.add.f32.msk vm2, v1  }
0x59: {  	v5 =	vld [tilespmem:s29+$0x30];
	v10 =	vtrunc.f32 v12;
	v12 =	vmul.f32 $4.096000000e+03, v8;
	vm2 =	vle.f32 v8, $1.000000000e+00  }
0x5a: {  	vm4 =	vle.f32 v6, $1.000000000e+00;
	v13 =	vld [tilespmem:s29+$0x6030];
	v7 =	vadd.f32 v11, v7;
	v4 =	vshll.u32 v4, $0x4  }
0x5b: {  	v6 =	vcvt.f32.s32 v10;
	v9 =	vld [tilespmem:s29+$0x0];
	v8 =	vtrunc.f32 v12;
	v14 =	vor.u32 v2, v4  }
.Ltmp3:
0x5c: {  	v11 =	vld [tilespmem:s29+$0x6000];
	v12 =	vcvt.f32.s32 v8;
	v15 =	vmul.f32 $4.096000000e+03, v7;
	vm3 =	vle.f32 v7, $1.000000000e+00;
	(pc) =	sbr.rel @p0 .LBB2_5-.Ltmp3, $4  }
0x5d: {  	v4 =	vshll.u32 v6, $0x4;
	v8 =	vld [tilespmem:s29+$0x10]  }
0x5e: {  	v4 =	vor.u32 v2, v4;
	v10 =	vld [tilespmem:s29+$0x6010];
	v12 =	vshll.u32 v12, $0x4;
	v15 =	vtrunc.f32 v15  }
0x5f: {  	v7 =	vld [tilespmem:s29+$0x20];
	v6 =	vadd.f32 v13, v5;
	v5 =	vor.u32 v2, v12;
	v12 =	vcvt.f32.s32 v15  }
0x60: {  	s31 =	sadd.s32 $0x200, s31;
	s2 =	sadd.s32 $0x40, s2;
	[tilespmem:v14+s19+$0x0] =	vst.idx.add.f32.msk vm4, v1  }
0x61: {  	v13 =	vld [tilespmem:s29+$0x6020];
	_ =	sdelay $0x2  }
0x62: {  	v14 =	vmul.f32 $4.096000000e+03, v6;
	v9 =	vadd.f32 v11, v9;
	v11 =	vshll.u32 v12, $0x4  }
0x63: {  	vm3 =	vmmov vm3;
	vm5 =	vle.f32 v6, $1.000000000e+00;
	v8 =	vadd.f32 v10, v8  }
0x64: {  	v10 =	vtrunc.f32 v14;
	v12 =	vmul.f32 $4.096000000e+03, v9;
	v7 =	vadd.f32 v13, v7  }
0x65: {  	vm4 =	vle.f32 v9, $1.000000000e+00;
	v10 =	vcvt.f32.s32 v10;
	v9 =	vmul.f32 $4.096000000e+03, v8  }
0x66: {  	v11 =	vor.u32 v2, v11;
	v12 =	vtrunc.f32 v12;
	v13 =	vmul.f32 $4.096000000e+03, v7  }
0x67: {  	vm6 =	vle.f32 v8, $1.000000000e+00;
	v6 =	vcvt.f32.s32 v12;
	v9 =	vtrunc.f32 v9  }
0x68: {  	v10 =	vshll.u32 v10, $0x4;
	v9 =	vcvt.f32.s32 v9;
	v12 =	vtrunc.f32 v13  }
0x69: {  	v10 =	vor.u32 v2, v10;
	v6 =	vshll.u32 v6, $0x4;
	v8 =	vcvt.f32.s32 v12  }
0x6a: {  	[tilespmem:v3+s19+$0x0] =	vst.idx.add.f32.msk vm0, v1;
	vm0 =	vle.f32 v7, $1.000000000e+00;
	v3 =	vor.u32 v2, v6;
	v6 =	vshll.u32 v9, $0x4  }
0x6b: {  	[tilespmem:v4+s19+$0x0] =	vst.idx.add.f32.msk vm1, v1;
	vm0 =	vmmov vm0;
	v4 =	vor.u32 v2, v6;
	v6 =	vshll.u32 v8, $0x4  }
0x6c: {  	[tilespmem:v5+s19+$0x0] =	vst.idx.add.f32.msk vm2, v1;
	p0 =	seq.s32 s26, $0x7;
	v5 =	vor.u32 v2, v6  }
0x6d: {  	s0 =	smul.u32 @!p0 $0x30, s26;
	[tilespmem:v11+s19+$0x0] =	vst.idx.add.f32.msk vm3, v1  }
0x6e: {  	[tilespmem:v10+s19+$0x0] =	vst.idx.add.f32.msk vm5, v1  }
0x6f: {  	s0 =	sadd.s32 @!p0 s0, s9;
	[tilespmem:v3+s19+$0x0] =	vst.idx.add.f32.msk vm4, v1  }
0x70: {  	s0 =	sshll.u32 @!p0 s0, $0x6;
	[tilespmem:v4+s19+$0x0] =	vst.idx.add.f32.msk vm6, v1  }
0x71: {  	s14 =	simm.s32 @!p0 $0x0;
	s2 =	sadd.s32 @!p0 s1, s0;
	[tilespmem:v5+s19+$0x0] =	vst.idx.add.f32.msk vm0, v1  }
0x72: {  	[tilespmem:s14], [sflag:$0x1] =	stream.linear.gather @!p0 [hbm4b:s2+s14], $0x3000, $0x38;
	[tilespmem:$0x1C080] =	vst v63  }
0x73: {  	s0 =	sadd.s32 @!p0 s3, s0;
	s2 =	simm.s32 @!p0 $0x6000  }
0x74: {  	[tilespmem:s2], [sflag:$0x3] =	stream.linear.gather @!p0 [hbm4b:s0+s14], $0x3000, $0x38;
	[tilespmem:$0x1C080] =	vst v63  }
0x75: {  	_ =	swait.ge [sflag:s20], $0x3000  }
0x76: {  	s0 =	simm.s32 $0x0;
	[sflag:s20] =	ssyncset.done $0x0  }
0x77: {  	s2 =	sand.u32 $0x3000, s0;
	s14 =	sand.u32 $0xC00, s0;
	[sflag:s20] =	ssyncadd.s32 $0xFFFFD000  }
0x78: {  	s2 =	sor.u32 s14, s2;
	s14 =	sand.u32 $0x380, s0;
	_ =	swait.ge [sflag:s21], $0x3000  }
0x79: {  	s0 =	sand.u32 $0x40, s0;
	s2 =	sor.u32 s14, s2;
	[sflag:s21] =	ssyncset.done $0x0  }
0x7a: {  	s0 =	sor.u32 s0, s2;
	[sflag:s21] =	ssyncadd.s32 $0xFFFFD000  }
0x7b: {  	v3 =	vld [tilespmem:s0+$0x3030]  }
0x7c: {  	v4 =	vld [tilespmem:s0+$0x9030]  }
0x7d: {  	v5 =	vld [tilespmem:s0+$0x3000]  }
0x7e: {  	v6 =	vld [tilespmem:s0+$0x9000]  }
0x7f: {  	v7 =	vld [tilespmem:s0+$0x3010]  }
0x80: {  	v8 =	vld [tilespmem:s0+$0x9010]  }
0x81: {  	s14 =	simm.s32 $0x40;
	s2 =	simm.s32 $0x200  }
0x82: {  	s29 =	simm.s32 $0x10;
	s28 =	sand.u32 $0x3000, s14;
	s2 =	sand.u32 $0xC00, s2;
	v3 =	vadd.f32 v4, v3  }
0x83: {  	s2 =	sor.u32 s2, s28;
	s28 =	sand.u32 $0x380, s29  }
0x84: {  	s14 =	sand.u32 $0x40, s14;
	s2 =	sor.u32 s28, s2;
	v5 =	vadd.f32 v6, v5;
	v6 =	vld [tilespmem:s0+$0x3020];
	v4 =	vmul.f32 $4.096000000e+03, v3  }
0x85: {  	v7 =	vadd.f32 v8, v7;
	v8 =	vld [tilespmem:s0+$0x9020];
	s0 =	sor.u32 s14, s2  }
0x86: {  	v10 =	vld [tilespmem:s0+$0x3030];
	v9 =	vmul.f32 $4.096000000e+03, v5;
	v4 =	vtrunc.f32 v4  }
0x87: {  	v12 =	vld [tilespmem:s0+$0x9030];
	v11 =	vmul.f32 $4.096000000e+03, v7;
	vm0 =	vle.f32 v3, $1.000000000e+00;
	v4 =	vcvt.f32.s32 v4  }
0x88: {  	v13 =	vld [tilespmem:s0+$0x9010];
	vm1 =	vle.f32 v5, $1.000000000e+00;
	vm2 =	vle.f32 v7, $1.000000000e+00;
	v9 =	vtrunc.f32 v9  }
0x89: {  	v7 =	vld [tilespmem:s0+$0x3010];
	v3 =	vcvt.f32.s32 v9;
	v9 =	vtrunc.f32 v11;
	v4 =	vshll.u32 v4, $0x4  }
0x8a: {  	v11 =	vld [tilespmem:s0+$0x3000];
	v5 =	vadd.f32 v8, v6;
	v9 =	vcvt.f32.s32 v9;
	v4 =	vor.u32 v2, v4  }
0x8b: {  	v6 =	vld [tilespmem:s0+$0x9000];
	v3 =	vshll.u32 v3, $0x4  }
0x8c: {  	v3 =	vor.u32 v2, v3;
	v8 =	vshll.u32 v9, $0x4;
	v9 =	vmul.f32 $4.096000000e+03, v5  }
0x8d: {  	s2 =	simm.s32 $0x400;
	s14 =	simm.s32 $0x80;
	v14 =	vld [tilespmem:s0+$0x9020];
	v10 =	vadd.f32 v12, v10  }
0x8e: {  	s28 =	simm.s32 $0x20;
	s29 =	sand.u32 $0x3000, s14;
	s2 =	sand.u32 $0xC00, s2;
	v12 =	vld [tilespmem:s0+$0x3020];
	v8 =	vor.u32 v2, v8;
	v9 =	vtrunc.f32 v9  }
0x8f: {  	s0 =	sor.u32 s2, s29;
	s2 =	sand.u32 $0x380, s28;
	v9 =	vcvt.f32.s32 v9;
	[tilespmem:v4+s19+$0x0] =	vst.idx.add.f32.msk vm0, v1;
	v4 =	vmul.f32 $4.096000000e+03, v10  }
0x90: {  	s14 =	sand.u32 $0x40, s14;
	s0 =	sor.u32 s2, s0;
	v7 =	vadd.f32 v13, v7;
	v6 =	vadd.f32 v6, v11  }
0x91: {  	s29 =	sor.u32 s14, s0;
	vm4 =	vle.f32 v10, $1.000000000e+00;
	[tilespmem:v3+s19+$0x0] =	vst.idx.add.f32.msk vm1, v1;
	v3 =	vshll.u32 v9, $0x4;
	v4 =	vtrunc.f32 v4  }
0x92: {  	v13 =	vld [tilespmem:s29+$0x3030];
	vm0 =	vle.f32 v5, $1.000000000e+00;
	v5 =	vmul.f32 $4.096000000e+03, v6;
	v4 =	vcvt.f32.s32 v4  }
0x93: {  	v10 =	vadd.f32 v14, v12;
	vm1 =	vle.f32 v6, $1.000000000e+00;
	[tilespmem:v8+s19+$0x0] =	vst.idx.add.f32.msk vm2, v1;
	v8 =	vmul.f32 $4.096000000e+03, v7  }
0x94: {  	v15 =	vld [tilespmem:s29+$0x9030];
	v3 =	vor.u32 v2, v3;
	v5 =	vtrunc.f32 v5;
	v4 =	vshll.u32 v4, $0x4  }
0x95: {  	v11 =	vld [tilespmem:s29+$0x9000];
	v14 =	vor.u32 v2, v4;
	v4 =	vcvt.f32.s32 v5;
	v5 =	vtrunc.f32 v8  }
0x96: {  	v9 =	vld [tilespmem:s29+$0x3000];
	vm0 =	vmmov vm0;
	v6 =	vmul.f32 $4.096000000e+03, v10;
	v5 =	vcvt.f32.s32 v5  }
0x97: {  	vm2 =	vle.f32 v7, $1.000000000e+00;
	vm3 =	vle.f32 v10, $1.000000000e+00;
	v10 =	vld [tilespmem:s29+$0x9010];
	v4 =	vshll.u32 v4, $0x4  }
0x98: {  	v12 =	vtrunc.f32 v6;
	v8 =	vld [tilespmem:s29+$0x3010];
	v4 =	vor.u32 v2, v4;
	v5 =	vshll.u32 v5, $0x4  }
0x99: {  	v7 =	vld [tilespmem:s29+$0x3020];
	v6 =	vadd.f32 v15, v13;
	v12 =	vcvt.f32.s32 v12;
	v5 =	vor.u32 v2, v5  }
0x9a: {  	s30 =	simm.s32 $0x8;
	s31 =	simm.s32 $0x600;
	s2 =	simm.s32 $0xC0;
	[tilespmem:v14+s19+$0x0] =	vst.idx.add.f32.msk vm4, v1  }
.LBB2_7:
0x9b: {  	s0 =	sand.u32 $0x3000, s2;
	s14 =	sand.u32 $0xC00, s31;
	v9 =	vadd.f32 v11, v9;
	v11 =	vld [tilespmem:s29+$0x9020];
	v13 =	vmul.f32 $4.096000000e+03, v6;
	s28 =	sadd.s32 $0x10, s28;
	v12 =	vshll.u32 v12, $0x4  }
0x9c: {  	s30 =	sadd.s32 $0x4, s30;
	s0 =	sor.u32 s14, s0;
	s14 =	sand.u32 $0x380, s28;
	[tilespmem:v3+s19+$0x0] =	vst.idx.add.f32.msk vm0, v1;
	v3 =	vor.u32 v2, v12;
	vm0 =	vmmov vm3  }
0x9d: {  	s29 =	sand.u32 $0x40, s2;
	p1 =	slt.u32 s30, $0x2FC;
	s0 =	sor.u32 s14, s0;
	v12 =	vmul.f32 $4.096000000e+03, v9;
	v8 =	vadd.f32 v10, v8;
	v10 =	vtrunc.f32 v13;
	[tilespmem:v4+s19+$0x0] =	vst.idx.add.f32.msk vm1, v1  }
0x9e: {  	vm1 =	vle.f32 v9, $1.000000000e+00;
	s29 =	sor.u32 s29, s0;
	v4 =	vcvt.f32.s32 v10;
	[tilespmem:v5+s19+$0x0] =	vst.idx.add.f32.msk vm2, v1  }
0x9f: {  	v5 =	vld [tilespmem:s29+$0x3030];
	v10 =	vtrunc.f32 v12;
	v12 =	vmul.f32 $4.096000000e+03, v8;
	vm2 =	vle.f32 v8, $1.000000000e+00  }
0xa0: {  	vm4 =	vle.f32 v6, $1.000000000e+00;
	v13 =	vld [tilespmem:s29+$0x9030];
	v7 =	vadd.f32 v11, v7;
	v4 =	vshll.u32 v4, $0x4  }
0xa1: {  	v6 =	vcvt.f32.s32 v10;
	v9 =	vld [tilespmem:s29+$0x3000];
	v8 =	vtrunc.f32 v12;
	v14 =	vor.u32 v2, v4  }
.Ltmp4:
0xa2: {  	v11 =	vld [tilespmem:s29+$0x9000];
	v12 =	vcvt.f32.s32 v8;
	v15 =	vmul.f32 $4.096000000e+03, v7;
	vm3 =	vle.f32 v7, $1.000000000e+00;
	(pc) =	sbr.rel @p1 .LBB2_7-.Ltmp4, $4  }
0xa3: {  	v4 =	vshll.u32 v6, $0x4;
	v8 =	vld [tilespmem:s29+$0x3010]  }
0xa4: {  	v4 =	vor.u32 v2, v4;
	v10 =	vld [tilespmem:s29+$0x9010];
	v12 =	vshll.u32 v12, $0x4;
	v15 =	vtrunc.f32 v15  }
0xa5: {  	v7 =	vld [tilespmem:s29+$0x3020];
	v6 =	vadd.f32 v13, v5;
	v5 =	vor.u32 v2, v12;
	v12 =	vcvt.f32.s32 v15  }
0xa6: {  	s31 =	sadd.s32 $0x200, s31;
	s2 =	sadd.s32 $0x40, s2;
	[tilespmem:v14+s19+$0x0] =	vst.idx.add.f32.msk vm4, v1  }
0xa7: {  	v13 =	vld [tilespmem:s29+$0x9020];
	_ =	sdelay $0x2  }
0xa8: {  	v14 =	vmul.f32 $4.096000000e+03, v6;
	v9 =	vadd.f32 v11, v9;
	v53 =	vshll.u32 v12, $0x4  }
0xa9: {  	vm3 =	vmmov vm3;
	vm5 =	vle.f32 v6, $1.000000000e+00;
	v8 =	vadd.f32 v10, v8  }
0xaa: {  	v54 =	vtrunc.f32 v14;
	v55 =	vmul.f32 $4.096000000e+03, v9;
	v7 =	vadd.f32 v13, v7  }
0xab: {  	v11 =	vor.u32 v2, v53;
	v10 =	vcvt.f32.s32 v54;
	v56 =	vmul.f32 $4.096000000e+03, v8  }
0xac: {  	vm4 =	vle.f32 v9, $1.000000000e+00;
	v12 =	vtrunc.f32 v55;
	v13 =	vmul.f32 $4.096000000e+03, v7  }
0xad: {  	vm6 =	vle.f32 v8, $1.000000000e+00;
	v57 =	vcvt.f32.s32 v12;
	v9 =	vtrunc.f32 v56  }
0xae: {  	v10 =	vshll.u32 v10, $0x4;
	v9 =	vcvt.f32.s32 v9;
	v58 =	vtrunc.f32 v13  }
0xaf: {  	v10 =	vor.u32 v2, v10;
	v6 =	vshll.u32 v57, $0x4;
	v59 =	vcvt.f32.s32 v58  }
0xb0: {  	[tilespmem:v3+s19+$0x0] =	vst.idx.add.f32.msk vm0, v1;
	vm15 =	vle.f32 v7, $1.000000000e+00;
	v3 =	vor.u32 v2, v6;
	v60 =	vshll.u32 v9, $0x4  }
0xb1: {  	[tilespmem:v4+s19+$0x0] =	vst.idx.add.f32.msk vm1, v1;
	vm0 =	vmmov vm15;
	v61 =	vor.u32 v2, v60;
	v62 =	vshll.u32 v59, $0x4  }
0xb2: {  	[tilespmem:v5+s19+$0x0] =	vst.idx.add.f32.msk vm2, v1;
	v63 =	vor.u32 v2, v62  }
.Ltmp5:
0xb3: {  	[tilespmem:v11+s19+$0x0] =	vst.idx.add.f32.msk vm3, v1;
	(pc) =	sbr.rel @p0 .LBB2_10-.Ltmp5, $4  }
0xb4: {  	[tilespmem:v10+s19+$0x0] =	vst.idx.add.f32.msk vm5, v1  }
0xb5: {  	[tilespmem:v3+s19+$0x0] =	vst.idx.add.f32.msk vm4, v1  }
0xb6: {  	[tilespmem:v61+s19+$0x0] =	vst.idx.add.f32.msk vm6, v1  }
0xb7: {  	[tilespmem:v63+s19+$0x0] =	vst.idx.add.f32.msk vm0, v1  }
0xb8: {  	s0 =	smul.u32 $0x30, s26;
	_ =	sdelay $0x1  }
0xb9: {  	s0 =	sadd.s32 s0, s10  }
.Ltmp6:
0xba: {  	s0 =	sshll.u32 s0, $0x6;
	(pc) =	sbr.rel .LBB2_4-.Ltmp6, $4  }
0xbb: {  	s2 =	sadd.s32 s1, s0  }
0xbc: {  	[tilespmem:s15], [sflag:$0x2] =	stream.linear.gather [hbm4b:s2+s4], $0x3000, $0x38;
	[tilespmem:$0x1C080] =	vst v63  }
0xbd: {  	s26 =	sadd.s32 $0x1, s26;
	s0 =	sadd.s32 s3, s0  }
0xbe: {  	[tilespmem:s16], [sflag:$0x4] =	stream.linear.gather [hbm4b:s0+s4], $0x3000, $0x38;
	[tilespmem:$0x1C080] =	vst v63  }
.LBB2_11:
0xbf: {  	_ =	sfence.sel $0x180000  }
0xc0: {  	[bflag:$0x0] =	sbarrier.arrive $0xFFFF  }
0xc1: {  	_ =	strace $0x90000047  }
0xc2: {  	s0 =	stileid.u32;
	[bflag:$0x2] =	sbarrier.arrive $0xFFFF  }
0xc3: {  	p0 =	sne.s32 s0, $0x0;
	s0 =	rddreg [dreg:$0x3]  }
0xc4: {  	s0 =	sadd.s32 @!p0 $0x100000, s0  }
0xc5: {  	[sflag:s0] =	ssyncadd.tile.s32 @!p0 $0x1;
	_ =	shalt  }
.Lfunc_end2:
_tile_overlayer_lowered:
.L_overlay_start_2:
0xc6: {  	(tag) =	ssettag $0x2  }
0xc7: {  	s0 =	rddreg [dreg:$0x0];
	s2 =	stileid.u32  }
0xc8: {  	s1 =	rddreg [dreg:$0x1];
	p0 =	sne.s32 s2, $0x0  }
0xc9: {  	s3 =	rddreg [dreg:$0x2];
	[bflag:$0x3] =	sbarrier.arrive $0xFFFF;
	s2 =	simm.s32 @!p0 $0x1C05  }
0xca: {  	[timem:s3], [sflag:s2] =	dma.local @!p0 [hbm:s0], s1  }
0xcb: {  	s0 =	simm.s32 @!p0 $0x5  }
0xcc: {  	_ =	swait.ge @!p0 [sflag:s0], s1  }
0xcd: {  	s1 =	ssub.s32 @!p0 $0x0, s1;
	[sflag:s0] =	ssyncset.done @!p0 $0x0  }
0xce: {  	[sflag:s0] =	ssyncadd.s32 @!p0 s1  }
0xcf: {  	[bflag:$0x3] =	sbarrier.arrive $0xFFFF  }
0xd0: {  	_ =	shalt  }

</sc_bundles>
